<compile_context>
chip_gen: v7x
topology: tpu7x:2x2x1
jax: 0.10.2.dev20260603
libtpu: 0.0.44.dev20260713+nightly
codegen_flags: <defaults>
</compile_context>

<pallas_src>
import functools

import jax
import jax.numpy as jnp
from jax import lax
from jax.experimental import pallas as pl
from jax.experimental.pallas import tpu as pltpu
from jax.experimental.pallas import tpu_sc as plsc

N_ROWS = 1_000_000
N_COLS = 64
NUM_CORES = 2
NUM_SUBCORES = 16
NW = NUM_CORES * NUM_SUBCORES
RB = 8
W = 1920
N_MAIN = 130
N_GROUPS = N_MAIN // 2
MINI0 = N_MAIN * 4 * W
MINI_W = 384
TAIL0 = MINI0 + 4 * MINI_W

_mesh = plsc.VectorSubcoreMesh(core_axis_name="c", subcore_axis_name="s")


def _mul_cols(ib, ob, n_vecs):

    @plsc.parallel_loop(0, n_vecs, unroll=4)
    def body(k):
        sl = pl.ds(k * 16, 16)
        for r in range(RB):
            ob[r, sl] = ib[r, sl] * 10.0


@functools.partial(
    pl.kernel,
    mesh=_mesh,
    out_type=jax.ShapeDtypeStruct((N_COLS, N_ROWS), jnp.float32),
    scratch_types=[
        pltpu.VMEM((RB, W), jnp.float32),
        pltpu.VMEM((RB, W), jnp.float32),
        pltpu.VMEM((RB, W), jnp.float32),
        pltpu.VMEM((RB, W), jnp.float32),
        pltpu.SemaphoreType.DMA,
        pltpu.SemaphoreType.DMA,
        pltpu.SemaphoreType.DMA,
        pltpu.SemaphoreType.DMA,
    ],
)
def _mul10(x_hbm, o_hbm, ib0, ib1, ob0, ob1, is0, is1, os0, os1):
    wid = lax.axis_index("s") * NUM_CORES + lax.axis_index("c")
    tr = wid // 4
    q = wid % 4
    row0 = pl.multiple_of(tr * RB, 8)
    rows = pl.ds(row0, RB)
    ibufs, obufs = (ib0, ib1), (ob0, ob1)
    isems, osems = (is0, is1), (os0, os1)

    def col0_of(c):
        return pl.multiple_of((q * N_MAIN + c) * W, 128)

    pltpu.async_copy(x_hbm.at[rows, pl.ds(col0_of(0), W)], ib0, is0)
    pltpu.async_copy(x_hbm.at[rows, pl.ds(col0_of(1), W)], ib1, is1)

    def group_body(g, carry):
        for b in range(2):
            c = g * 2 + b
            col0 = col0_of(c)
            ib, ob = ibufs[b], obufs[b]
            pltpu.make_async_copy(x_hbm.at[rows, pl.ds(col0, W)], ib, isems[b]).wait()

            @pl.when(g >= 1)
            def _wait_out():
                pltpu.make_async_copy(
                    ob, o_hbm.at[rows, pl.ds(col0, W)], osems[b]
                ).wait()

            _mul_cols(ib, ob, W // 16)

            pltpu.async_copy(ob, o_hbm.at[rows, pl.ds(col0, W)], osems[b])

            @pl.when(g < N_GROUPS - 1)
            def _next_in():
                pltpu.async_copy(
                    x_hbm.at[rows, pl.ds(col0_of(c + 2), W)], ib, isems[b]
                )

        return carry

    lax.fori_loop(0, N_GROUPS, group_body, 0)

    mini_col = pl.multiple_of(MINI0 + q * MINI_W, 128)

    pltpu.async_copy(
        x_hbm.at[rows, pl.ds(mini_col, MINI_W)], ib0.at[:, pl.ds(0, MINI_W)], is0
    )

    cl0, cl1 = col0_of(N_MAIN - 2), col0_of(N_MAIN - 1)
    pltpu.make_async_copy(ob0, o_hbm.at[rows, pl.ds(cl0, W)], os0).wait()
    pltpu.make_async_copy(ob1, o_hbm.at[rows, pl.ds(cl1, W)], os1).wait()

    pltpu.make_async_copy(
        x_hbm.at[rows, pl.ds(mini_col, MINI_W)], ib0.at[:, pl.ds(0, MINI_W)], is0
    ).wait()
    _mul_cols(ib0, ob0, MINI_W // 16)
    pltpu.async_copy(
        ob0.at[:, pl.ds(0, MINI_W)], o_hbm.at[rows, pl.ds(mini_col, MINI_W)], os0
    )
    pltpu.make_async_copy(
        ob0.at[:, pl.ds(0, MINI_W)], o_hbm.at[rows, pl.ds(mini_col, MINI_W)], os0
    ).wait()


def kernel(input_tensor):
    big = _mul10(input_tensor.T).T
    tail = input_tensor[TAIL0:, :] * 10.0
    return lax.dynamic_update_slice(big, tail, (TAIL0, 0))

# --- scband reference (transcript-rebuilt; emitter-appended) ---
"""Pipeline reference for scband-aten-chunk-loop-getitem-85023172591917 (READ-ONLY COPY).

The authoritative reference and input builder live on the scoring server;
editing this copy changes nothing except your own understanding.
"""

import jax, jax.numpy as jnp
import numpy as np

NUM_CHUNKS = 64

def setup_inputs(seed: int = 0) -> dict:
    key = jax.random.key(seed)
    input_tensor = jax.random.normal(key, (1000000, 64), dtype=jnp.float32)
    return {"input_tensor": input_tensor}

def reference(input_tensor):
    # Faithful translation of aten_chunk_loop_getitem.forward:
    #   x = arange(N); chunks = torch.chunk(x, num_chunks);
    #   for inds in chunks: input_tensor[inds] *= 10
    n = input_tensor.shape[0]
    x = np.arange(n)
    # torch.chunk semantics: chunk_size = ceil(n / num_chunks), last chunk may be smaller
    chunk_size = int(np.ceil(n / NUM_CHUNKS))
    out = input_tensor
    for i in range(0, n, chunk_size):
        inds = jnp.asarray(x[i:i + chunk_size])
        # in-place indexed multiply -> scatter-overwrite via .at[].multiply
        out = out.at[inds].multiply(10.0)
    return out

if __name__ == "__main__":
    import jax
    _d = setup_inputs()
    print(jax.jit(kernel)(*tuple(_d.values())))

</pallas_src>

<mosaic_0001>
#map = affine_map<(d0, d1) -> (0, 0)>
module attributes {stable_mosaic.version = 14 : i64} {
  func.func @_mul10(%arg0: i32, %arg1: i32, %arg2: memref<64x1000000xf32, #tpu.memory_space<hbm>>, %arg3: memref<64x1000000xf32, #tpu.memory_space<hbm>>, %arg4: memref<8x1920xf32, #tpu.memory_space<vmem>>, %arg5: memref<8x1920xf32, #tpu.memory_space<vmem>>, %arg6: memref<8x1920xf32, #tpu.memory_space<vmem>>, %arg7: memref<8x1920xf32, #tpu.memory_space<vmem>>, %arg8: memref<!tpu.dma_semaphore, #tpu.memory_space<semaphore_mem>>, %arg9: memref<!tpu.dma_semaphore, #tpu.memory_space<semaphore_mem>>, %arg10: memref<!tpu.dma_semaphore, #tpu.memory_space<semaphore_mem>>, %arg11: memref<!tpu.dma_semaphore, #tpu.memory_space<semaphore_mem>>) attributes {dimension_semantics = [#tpu.dimension_semantics<core_parallel>, #tpu.dimension_semantics<subcore_parallel>], iteration_bounds = array<i64: 2, 16>, scalar_prefetch = 0 : i64, scratch_operands = 8 : i64, tpu.core_type = #tpu.core_type<sc_vector_subcore>, window_params = [{transform_indices = #map}, {transform_indices = #map}]} {
    %mul3A = arith.constant 2 : i32
    %mul3A_0 = arith.muli %arg1, %mul3A : i32
    %add3A = arith.addi %mul3A_0, %arg0 : i32
    %jit3A = arith.constant 4 : i32
    %div3A = arith.divsi %add3A, %jit3A : i32
    %sign3A = arith.constant 0 : i32
    %sign3A_1 = arith.cmpi sgt, %add3A, %sign3A : i32
    %sign3A_2 = arith.extui %sign3A_1 : i1 to i32
    %sign3A_3 = arith.constant 0 : i32
    %sign3A_4 = arith.cmpi slt, %add3A, %sign3A_3 : i32
    %sign3A_5 = arith.extui %sign3A_4 : i1 to i32
    %sign3A_6 = arith.subi %sign3A_2, %sign3A_5 : i32
    %sign3A_7 = arith.constant 0 : i32
    %sign3A_8 = arith.cmpi sgt, %jit3A, %sign3A_7 : i32
    %sign3A_9 = arith.extui %sign3A_8 : i1 to i32
    %sign3A_10 = arith.constant 0 : i32
    %sign3A_11 = arith.cmpi slt, %jit3A, %sign3A_10 : i32
    %sign3A_12 = arith.extui %sign3A_11 : i1 to i32
    %sign3A_13 = arith.subi %sign3A_9, %sign3A_12 : i32
    %ne3A = arith.cmpi ne, %sign3A_6, %sign3A_13 : i32
    %rem3A = arith.remsi %add3A, %jit3A : i32
    %ne3A_14 = arith.constant 0 : i32
    %ne3A_15 = arith.cmpi ne, %rem3A, %ne3A_14 : i32
    %and3A = arith.andi %ne3A, %ne3A_15 : i1
    %sub3A = arith.constant 1 : i32
    %sub3A_16 = arith.subi %div3A, %sub3A : i32
    %select_n3A = arith.select %and3A, %sub3A_16, %div3A : i32
    %jit3A_17 = arith.constant 4 : i32
    %eq3A = arith.constant 0 : i32
    %eq3A_18 = arith.cmpi eq, %jit3A_17, %eq3A : i32
    %jit3A_19 = arith.constant 1 : i32
    %select_n3A_20 = arith.select %eq3A_18, %jit3A_19, %jit3A_17 : i32
    %rem3A_21 = arith.remsi %add3A, %select_n3A_20 : i32
    %ne3A_22 = arith.constant 0 : i32
    %ne3A_23 = arith.cmpi ne, %rem3A_21, %ne3A_22 : i32
    %lt3A = arith.constant 0 : i32
    %lt3A_24 = arith.cmpi slt, %rem3A_21, %lt3A : i32
    %lt3A_25 = arith.constant 0 : i32
    %lt3A_26 = arith.cmpi slt, %select_n3A_20, %lt3A_25 : i32
    %ne3A_27 = arith.xori %lt3A_24, %lt3A_26 : i1
    %and3A_28 = arith.andi %ne3A_27, %ne3A_23 : i1
    %add3A_29 = arith.addi %rem3A_21, %select_n3A_20 : i32
    %select_n3A_30 = arith.select %and3A_28, %add3A_29, %rem3A_21 : i32
    %mul3A_31 = arith.constant 8 : i32
    %mul3A_32 = arith.muli %select_n3A, %mul3A_31 : i32
    %multiple_of3A = tpu.assume_multiple %mul3A_32, 8 : i32
    %mul3A_33 = arith.constant 130 : i32
    %mul3A_34 = arith.muli %select_n3A_30, %mul3A_33 : i32
    %add3A_35 = arith.constant 0 : i32
    %add3A_36 = arith.addi %mul3A_34, %add3A_35 : i32
    %mul3A_37 = arith.constant 1920 : i32
    %mul3A_38 = arith.muli %add3A_36, %mul3A_37 : i32
    %multiple_of3A_39 = tpu.assume_multiple %mul3A_38, 128 : i32
    %dma_start3A = tpu.memref_slice %arg2[%multiple_of3A, %multiple_of3A_39] : memref<64x1000000xf32, #tpu.memory_space<hbm>> -> memref<8x1920xf32, #tpu.memory_space<hbm>>
    %dma_start3A_40 = tpu.memref_slice %arg2[%multiple_of3A, %multiple_of3A_39] : memref<64x1000000xf32, #tpu.memory_space<hbm>> -> memref<8x1920xf32, #tpu.memory_space<hbm>>
    tpu.enqueue_dma source(%dma_start3A_40 : memref<8x1920xf32, #tpu.memory_space<hbm>>) target(%arg4 : memref<8x1920xf32, #tpu.memory_space<vmem>>) target_semaphore(%arg8 : memref<!tpu.dma_semaphore, #tpu.memory_space<semaphore_mem>>)
    %mul3A_41 = arith.constant 130 : i32
    %mul3A_42 = arith.muli %select_n3A_30, %mul3A_41 : i32
    %add3A_43 = arith.constant 1 : i32
    %add3A_44 = arith.addi %mul3A_42, %add3A_43 : i32
    %mul3A_45 = arith.constant 1920 : i32
    %mul3A_46 = arith.muli %add3A_44, %mul3A_45 : i32
    %multiple_of3A_47 = tpu.assume_multiple %mul3A_46, 128 : i32
    %dma_start3A_48 = tpu.memref_slice %arg2[%multiple_of3A, %multiple_of3A_47] : memref<64x1000000xf32, #tpu.memory_space<hbm>> -> memref<8x1920xf32, #tpu.memory_space<hbm>>
    %dma_start3A_49 = tpu.memref_slice %arg2[%multiple_of3A, %multiple_of3A_47] : memref<64x1000000xf32, #tpu.memory_space<hbm>> -> memref<8x1920xf32, #tpu.memory_space<hbm>>
    tpu.enqueue_dma source(%dma_start3A_49 : memref<8x1920xf32, #tpu.memory_space<hbm>>) target(%arg5 : memref<8x1920xf32, #tpu.memory_space<vmem>>) target_semaphore(%arg9 : memref<!tpu.dma_semaphore, #tpu.memory_space<semaphore_mem>>)
    %scan3A = arith.constant 0 : i32
    %scan3A_50 = arith.constant 0 : i32
    %scan3A_51 = arith.constant 65 : i32
    %scan3A_52 = arith.addi %scan3A_50, %scan3A_51 : i32
    %scan3A_53 = arith.constant 1 : i32
    scf.for %scan3A_111 = %scan3A_50 to %scan3A_52 step %scan3A_53  : i32 {
      %mul3A_112 = arith.constant 2 : i32
      %mul3A_113 = arith.muli %scan3A_111, %mul3A_112 : i32
      %add3A_114 = arith.constant 0 : i32
      %add3A_115 = arith.addi %mul3A_113, %add3A_114 : i32
      %mul3A_116 = arith.constant 130 : i32
      %mul3A_117 = arith.muli %select_n3A_30, %mul3A_116 : i32
      %add3A_118 = arith.addi %mul3A_117, %add3A_115 : i32
      %mul3A_119 = arith.constant 1920 : i32
      %mul3A_120 = arith.muli %add3A_118, %mul3A_119 : i32
      %multiple_of3A_121 = tpu.assume_multiple %mul3A_120, 128 : i32
      %dma_wait3A_122 = tpu.memref_slice %arg2[%multiple_of3A, %multiple_of3A_121] : memref<64x1000000xf32, #tpu.memory_space<hbm>> -> memref<8x1920xf32, #tpu.memory_space<hbm>>
      %dma_wait3A_123 = tpu.memref_slice %arg2[%multiple_of3A, %multiple_of3A_121] : memref<64x1000000xf32, #tpu.memory_space<hbm>> -> memref<8x1920xf32, #tpu.memory_space<hbm>>
      tpu.wait_dma2 semaphore(%arg8 : memref<!tpu.dma_semaphore, #tpu.memory_space<semaphore_mem>>) src(%dma_wait3A_123 : memref<8x1920xf32, #tpu.memory_space<hbm>>) dst(%arg4 : memref<8x1920xf32, #tpu.memory_space<vmem>>)
      %ge3A = arith.constant 1 : i32
      %ge3A_124 = arith.cmpi sge, %scan3A_111, %ge3A : i32
      %convert_element_type3A = arith.extui %ge3A_124 : i1 to i32
      %cond3A = arith.constant 0 : i32
      %cond3A_125 = arith.cmpi ne, %convert_element_type3A, %cond3A : i32
      scf.if %cond3A_125 {
        %dma_wait3A_163 = tpu.memref_slice %arg3[%multiple_of3A, %multiple_of3A_121] : memref<64x1000000xf32, #tpu.memory_space<hbm>> -> memref<8x1920xf32, #tpu.memory_space<hbm>>
        %dma_wait3A_164 = tpu.memref_slice %arg3[%multiple_of3A, %multiple_of3A_121] : memref<64x1000000xf32, #tpu.memory_space<hbm>> -> memref<8x1920xf32, #tpu.memory_space<hbm>>
        tpu.wait_dma2 semaphore(%arg10 : memref<!tpu.dma_semaphore, #tpu.memory_space<semaphore_mem>>) src(%arg6 : memref<8x1920xf32, #tpu.memory_space<vmem>>) dst(%dma_wait3A_164 : memref<8x1920xf32, #tpu.memory_space<hbm>>)
      } else {
      }
      %parallel_loop3A_126 = arith.constant 0 : i32
      %parallel_loop3A_127 = arith.constant 120 : i32
      %parallel_loop3A_128 = arith.constant 1 : i32
      scf.for %parallel_loop3A_163 = %parallel_loop3A_126 to %parallel_loop3A_127 step %parallel_loop3A_128  : i32 {
        %parallel_loop3A_164 = arith.constant 16 : i32
        %parallel_loop3A_165 = arith.muli %parallel_loop3A_163, %parallel_loop3A_164 : i32
        %parallel_loop3A_166 = arith.constant 0 : i32
        %parallel_loop3A_167 = arith.index_cast %parallel_loop3A_166 : i32 to index
        %parallel_loop3A_168 = arith.index_cast %parallel_loop3A_165 : i32 to index
        %parallel_loop3A_169 = tpu.vector_load %arg4[%parallel_loop3A_167, %parallel_loop3A_168] {strides = array<i32>} : memref<8x1920xf32, #tpu.memory_space<vmem>>, vector<1x16xf32>,
        %parallel_loop3A_170 = vector.shape_cast %parallel_loop3A_169 : vector<1x16xf32> to vector<16xf32>
        %parallel_loop3A_171 = arith.constant 1.000000e+01 : f32
        %parallel_loop3A_172 = vector.broadcast %parallel_loop3A_171 : f32 to vector<16xf32>
        %parallel_loop3A_173 = arith.mulf %parallel_loop3A_170, %parallel_loop3A_172 : vector<16xf32>
        %parallel_loop3A_174 = arith.constant 0 : i32
        %parallel_loop3A_175 = arith.index_cast %parallel_loop3A_174 : i32 to index
        %parallel_loop3A_176 = arith.index_cast %parallel_loop3A_165 : i32 to index
        %parallel_loop3A_177 = tpu.vector_load %arg6[%parallel_loop3A_175, %parallel_loop3A_176] {strides = array<i32>} : memref<8x1920xf32, #tpu.memory_space<vmem>>, vector<1x16xf32>,
        %parallel_loop3A_178 = vector.shape_cast %parallel_loop3A_177 : vector<1x16xf32> to vector<16xf32>
        %parallel_loop3A_179 = vector.shape_cast %parallel_loop3A_173 : vector<16xf32> to vector<1x16xf32>
        tpu.vector_store %arg6[%parallel_loop3A_175, %parallel_loop3A_176], %parallel_loop3A_179 {strides = array<i32>} : memref<8x1920xf32, #tpu.memory_space<vmem>>, vector<1x16xf32>,
        %parallel_loop3A_180 = arith.constant 1 : i32
        %parallel_loop3A_181 = arith.index_cast %parallel_loop3A_180 : i32 to index
        %parallel_loop3A_182 = arith.index_cast %parallel_loop3A_165 : i32 to index
        %parallel_loop3A_183 = tpu.vector_load %arg4[%parallel_loop3A_181, %parallel_loop3A_182] {strides = array<i32>} : memref<8x1920xf32, #tpu.memory_space<vmem>>, vector<1x16xf32>,
        %parallel_loop3A_184 = vector.shape_cast %parallel_loop3A_183 : vector<1x16xf32> to vector<16xf32>
        %parallel_loop3A_185 = arith.constant 1.000000e+01 : f32
        %parallel_loop3A_186 = vector.broadcast %parallel_loop3A_185 : f32 to vector<16xf32>
        %parallel_loop3A_187 = arith.mulf %parallel_loop3A_184, %parallel_loop3A_186 : vector<16xf32>
        %parallel_loop3A_188 = arith.constant 1 : i32
        %parallel_loop3A_189 = arith.index_cast %parallel_loop3A_188 : i32 to index
        %parallel_loop3A_190 = arith.index_cast %parallel_loop3A_165 : i32 to index
        %parallel_loop3A_191 = tpu.vector_load %arg6[%parallel_loop3A_189, %parallel_loop3A_190] {strides = array<i32>} : memref<8x1920xf32, #tpu.memory_space<vmem>>, vector<1x16xf32>,
        %parallel_loop3A_192 = vector.shape_cast %parallel_loop3A_191 : vector<1x16xf32> to vector<16xf32>
        %parallel_loop3A_193 = vector.shape_cast %parallel_loop3A_187 : vector<16xf32> to vector<1x16xf32>
        tpu.vector_store %arg6[%parallel_loop3A_189, %parallel_loop3A_190], %parallel_loop3A_193 {strides = array<i32>} : memref<8x1920xf32, #tpu.memory_space<vmem>>, vector<1x16xf32>,
        %parallel_loop3A_194 = arith.constant 2 : i32
        %parallel_loop3A_195 = arith.index_cast %parallel_loop3A_194 : i32 to index
        %parallel_loop3A_196 = arith.index_cast %parallel_loop3A_165 : i32 to index
        %parallel_loop3A_197 = tpu.vector_load %arg4[%parallel_loop3A_195, %parallel_loop3A_196] {strides = array<i32>} : memref<8x1920xf32, #tpu.memory_space<vmem>>, vector<1x16xf32>,
        %parallel_loop3A_198 = vector.shape_cast %parallel_loop3A_197 : vector<1x16xf32> to vector<16xf32>
        %parallel_loop3A_199 = arith.constant 1.000000e+01 : f32
        %parallel_loop3A_200 = vector.broadcast %parallel_loop3A_199 : f32 to vector<16xf32>
        %parallel_loop3A_201 = arith.mulf %parallel_loop3A_198, %parallel_loop3A_200 : vector<16xf32>
        %parallel_loop3A_202 = arith.constant 2 : i32
        %parallel_loop3A_203 = arith.index_cast %parallel_loop3A_202 : i32 to index
        %parallel_loop3A_204 = arith.index_cast %parallel_loop3A_165 : i32 to index
        %parallel_loop3A_205 = tpu.vector_load %arg6[%parallel_loop3A_203, %parallel_loop3A_204] {strides = array<i32>} : memref<8x1920xf32, #tpu.memory_space<vmem>>, vector<1x16xf32>,
        %parallel_loop3A_206 = vector.shape_cast %parallel_loop3A_205 : vector<1x16xf32> to vector<16xf32>
        %parallel_loop3A_207 = vector.shape_cast %parallel_loop3A_201 : vector<16xf32> to vector<1x16xf32>
        tpu.vector_store %arg6[%parallel_loop3A_203, %parallel_loop3A_204], %parallel_loop3A_207 {strides = array<i32>} : memref<8x1920xf32, #tpu.memory_space<vmem>>, vector<1x16xf32>,
        %parallel_loop3A_208 = arith.constant 3 : i32
        %parallel_loop3A_209 = arith.index_cast %parallel_loop3A_208 : i32 to index
        %parallel_loop3A_210 = arith.index_cast %parallel_loop3A_165 : i32 to index
        %parallel_loop3A_211 = tpu.vector_load %arg4[%parallel_loop3A_209, %parallel_loop3A_210] {strides = array<i32>} : memref<8x1920xf32, #tpu.memory_space<vmem>>, vector<1x16xf32>,
        %parallel_loop3A_212 = vector.shape_cast %parallel_loop3A_211 : vector<1x16xf32> to vector<16xf32>
        %parallel_loop3A_213 = arith.constant 1.000000e+01 : f32
        %parallel_loop3A_214 = vector.broadcast %parallel_loop3A_213 : f32 to vector<16xf32>
        %parallel_loop3A_215 = arith.mulf %parallel_loop3A_212, %parallel_loop3A_214 : vector<16xf32>
        %parallel_loop3A_216 = arith.constant 3 : i32
        %parallel_loop3A_217 = arith.index_cast %parallel_loop3A_216 : i32 to index
        %parallel_loop3A_218 = arith.index_cast %parallel_loop3A_165 : i32 to index
        %parallel_loop3A_219 = tpu.vector_load %arg6[%parallel_loop3A_217, %parallel_loop3A_218] {strides = array<i32>} : memref<8x1920xf32, #tpu.memory_space<vmem>>, vector<1x16xf32>,
        %parallel_loop3A_220 = vector.shape_cast %parallel_loop3A_219 : vector<1x16xf32> to vector<16xf32>
        %parallel_loop3A_221 = vector.shape_cast %parallel_loop3A_215 : vector<16xf32> to vector<1x16xf32>
        tpu.vector_store %arg6[%parallel_loop3A_217, %parallel_loop3A_218], %parallel_loop3A_221 {strides = array<i32>} : memref<8x1920xf32, #tpu.memory_space<vmem>>, vector<1x16xf32>,
        %parallel_loop3A_222 = arith.constant 4 : i32
        %parallel_loop3A_223 = arith.index_cast %parallel_loop3A_222 : i32 to index
        %parallel_loop3A_224 = arith.index_cast %parallel_loop3A_165 : i32 to index
        %parallel_loop3A_225 = tpu.vector_load %arg4[%parallel_loop3A_223, %parallel_loop3A_224] {strides = array<i32>} : memref<8x1920xf32, #tpu.memory_space<vmem>>, vector<1x16xf32>,
        %parallel_loop3A_226 = vector.shape_cast %parallel_loop3A_225 : vector<1x16xf32> to vector<16xf32>
        %parallel_loop3A_227 = arith.constant 1.000000e+01 : f32
        %parallel_loop3A_228 = vector.broadcast %parallel_loop3A_227 : f32 to vector<16xf32>
        %parallel_loop3A_229 = arith.mulf %parallel_loop3A_226, %parallel_loop3A_228 : vector<16xf32>
        %parallel_loop3A_230 = arith.constant 4 : i32
        %parallel_loop3A_231 = arith.index_cast %parallel_loop3A_230 : i32 to index
        %parallel_loop3A_232 = arith.index_cast %parallel_loop3A_165 : i32 to index
        %parallel_loop3A_233 = tpu.vector_load %arg6[%parallel_loop3A_231, %parallel_loop3A_232] {strides = array<i32>} : memref<8x1920xf32, #tpu.memory_space<vmem>>, vector<1x16xf32>,
        %parallel_loop3A_234 = vector.shape_cast %parallel_loop3A_233 : vector<1x16xf32> to vector<16xf32>
        %parallel_loop3A_235 = vector.shape_cast %parallel_loop3A_229 : vector<16xf32> to vector<1x16xf32>
        tpu.vector_store %arg6[%parallel_loop3A_231, %parallel_loop3A_232], %parallel_loop3A_235 {strides = array<i32>} : memref<8x1920xf32, #tpu.memory_space<vmem>>, vector<1x16xf32>,
        %parallel_loop3A_236 = arith.constant 5 : i32
        %parallel_loop3A_237 = arith.index_cast %parallel_loop3A_236 : i32 to index
        %parallel_loop3A_238 = arith.index_cast %parallel_loop3A_165 : i32 to index
        %parallel_loop3A_239 = tpu.vector_load %arg4[%parallel_loop3A_237, %parallel_loop3A_238] {strides = array<i32>} : memref<8x1920xf32, #tpu.memory_space<vmem>>, vector<1x16xf32>,
        %parallel_loop3A_240 = vector.shape_cast %parallel_loop3A_239 : vector<1x16xf32> to vector<16xf32>
        %parallel_loop3A_241 = arith.constant 1.000000e+01 : f32
        %parallel_loop3A_242 = vector.broadcast %parallel_loop3A_241 : f32 to vector<16xf32>
        %parallel_loop3A_243 = arith.mulf %parallel_loop3A_240, %parallel_loop3A_242 : vector<16xf32>
        %parallel_loop3A_244 = arith.constant 5 : i32
        %parallel_loop3A_245 = arith.index_cast %parallel_loop3A_244 : i32 to index
        %parallel_loop3A_246 = arith.index_cast %parallel_loop3A_165 : i32 to index
        %parallel_loop3A_247 = tpu.vector_load %arg6[%parallel_loop3A_245, %parallel_loop3A_246] {strides = array<i32>} : memref<8x1920xf32, #tpu.memory_space<vmem>>, vector<1x16xf32>,
        %parallel_loop3A_248 = vector.shape_cast %parallel_loop3A_247 : vector<1x16xf32> to vector<16xf32>
        %parallel_loop3A_249 = vector.shape_cast %parallel_loop3A_243 : vector<16xf32> to vector<1x16xf32>
        tpu.vector_store %arg6[%parallel_loop3A_245, %parallel_loop3A_246], %parallel_loop3A_249 {strides = array<i32>} : memref<8x1920xf32, #tpu.memory_space<vmem>>, vector<1x16xf32>,
        %parallel_loop3A_250 = arith.constant 6 : i32
        %parallel_loop3A_251 = arith.index_cast %parallel_loop3A_250 : i32 to index
        %parallel_loop3A_252 = arith.index_cast %parallel_loop3A_165 : i32 to index
        %parallel_loop3A_253 = tpu.vector_load %arg4[%parallel_loop3A_251, %parallel_loop3A_252] {strides = array<i32>} : memref<8x1920xf32, #tpu.memory_space<vmem>>, vector<1x16xf32>,
        %parallel_loop3A_254 = vector.shape_cast %parallel_loop3A_253 : vector<1x16xf32> to vector<16xf32>
        %parallel_loop3A_255 = arith.constant 1.000000e+01 : f32
        %parallel_loop3A_256 = vector.broadcast %parallel_loop3A_255 : f32 to vector<16xf32>
        %parallel_loop3A_257 = arith.mulf %parallel_loop3A_254, %parallel_loop3A_256 : vector<16xf32>
        %parallel_loop3A_258 = arith.constant 6 : i32
        %parallel_loop3A_259 = arith.index_cast %parallel_loop3A_258 : i32 to index
        %parallel_loop3A_260 = arith.index_cast %parallel_loop3A_165 : i32 to index
        %parallel_loop3A_261 = tpu.vector_load %arg6[%parallel_loop3A_259, %parallel_loop3A_260] {strides = array<i32>} : memref<8x1920xf32, #tpu.memory_space<vmem>>, vector<1x16xf32>,
        %parallel_loop3A_262 = vector.shape_cast %parallel_loop3A_261 : vector<1x16xf32> to vector<16xf32>
        %parallel_loop3A_263 = vector.shape_cast %parallel_loop3A_257 : vector<16xf32> to vector<1x16xf32>
        tpu.vector_store %arg6[%parallel_loop3A_259, %parallel_loop3A_260], %parallel_loop3A_263 {strides = array<i32>} : memref<8x1920xf32, #tpu.memory_space<vmem>>, vector<1x16xf32>,
        %parallel_loop3A_264 = arith.constant 7 : i32
        %parallel_loop3A_265 = arith.index_cast %parallel_loop3A_264 : i32 to index
        %parallel_loop3A_266 = arith.index_cast %parallel_loop3A_165 : i32 to index
        %parallel_loop3A_267 = tpu.vector_load %arg4[%parallel_loop3A_265, %parallel_loop3A_266] {strides = array<i32>} : memref<8x1920xf32, #tpu.memory_space<vmem>>, vector<1x16xf32>,
        %parallel_loop3A_268 = vector.shape_cast %parallel_loop3A_267 : vector<1x16xf32> to vector<16xf32>
        %parallel_loop3A_269 = arith.constant 1.000000e+01 : f32
        %parallel_loop3A_270 = vector.broadcast %parallel_loop3A_269 : f32 to vector<16xf32>
        %parallel_loop3A_271 = arith.mulf %parallel_loop3A_268, %parallel_loop3A_270 : vector<16xf32>
        %parallel_loop3A_272 = arith.constant 7 : i32
        %parallel_loop3A_273 = arith.index_cast %parallel_loop3A_272 : i32 to index
        %parallel_loop3A_274 = arith.index_cast %parallel_loop3A_165 : i32 to index
        %parallel_loop3A_275 = tpu.vector_load %arg6[%parallel_loop3A_273, %parallel_loop3A_274] {strides = array<i32>} : memref<8x1920xf32, #tpu.memory_space<vmem>>, vector<1x16xf32>,
        %parallel_loop3A_276 = vector.shape_cast %parallel_loop3A_275 : vector<1x16xf32> to vector<16xf32>
        %parallel_loop3A_277 = vector.shape_cast %parallel_loop3A_271 : vector<16xf32> to vector<1x16xf32>
        tpu.vector_store %arg6[%parallel_loop3A_273, %parallel_loop3A_274], %parallel_loop3A_277 {strides = array<i32>} : memref<8x1920xf32, #tpu.memory_space<vmem>>, vector<1x16xf32>,
      } {sc.loop_unroll_factor = 4 : i64, sc.parallel_access}
      %dma_start3A_129 = tpu.memref_slice %arg3[%multiple_of3A, %multiple_of3A_121] : memref<64x1000000xf32, #tpu.memory_space<hbm>> -> memref<8x1920xf32, #tpu.memory_space<hbm>>
      %dma_start3A_130 = tpu.memref_slice %arg3[%multiple_of3A, %multiple_of3A_121] : memref<64x1000000xf32, #tpu.memory_space<hbm>> -> memref<8x1920xf32, #tpu.memory_space<hbm>>
      tpu.enqueue_dma source(%arg6 : memref<8x1920xf32, #tpu.memory_space<vmem>>) target(%dma_start3A_130 : memref<8x1920xf32, #tpu.memory_space<hbm>>) target_semaphore(%arg10 : memref<!tpu.dma_semaphore, #tpu.memory_space<semaphore_mem>>)
      %lt3A_131 = arith.constant 64 : i32
      %lt3A_132 = arith.cmpi slt, %scan3A_111, %lt3A_131 : i32
      %convert_element_type3A_133 = arith.extui %lt3A_132 : i1 to i32
      %cond3A_134 = arith.constant 0 : i32
      %cond3A_135 = arith.cmpi ne, %convert_element_type3A_133, %cond3A_134 : i32
      scf.if %cond3A_135 {
        %add3A_163 = arith.constant 2 : i32
        %add3A_164 = arith.addi %add3A_115, %add3A_163 : i32
        %mul3A_165 = arith.constant 130 : i32
        %mul3A_166 = arith.muli %select_n3A_30, %mul3A_165 : i32
        %add3A_167 = arith.addi %mul3A_166, %add3A_164 : i32
        %mul3A_168 = arith.constant 1920 : i32
        %mul3A_169 = arith.muli %add3A_167, %mul3A_168 : i32
        %multiple_of3A_170 = tpu.assume_multiple %mul3A_169, 128 : i32
        %dma_start3A_171 = tpu.memref_slice %arg2[%multiple_of3A, %multiple_of3A_170] : memref<64x1000000xf32, #tpu.memory_space<hbm>> -> memref<8x1920xf32, #tpu.memory_space<hbm>>
        %dma_start3A_172 = tpu.memref_slice %arg2[%multiple_of3A, %multiple_of3A_170] : memref<64x1000000xf32, #tpu.memory_space<hbm>> -> memref<8x1920xf32, #tpu.memory_space<hbm>>
        tpu.enqueue_dma source(%dma_start3A_172 : memref<8x1920xf32, #tpu.memory_space<hbm>>) target(%arg4 : memref<8x1920xf32, #tpu.memory_space<vmem>>) target_semaphore(%arg8 : memref<!tpu.dma_semaphore, #tpu.memory_space<semaphore_mem>>)
      } else {
      }
      %mul3A_136 = arith.constant 2 : i32
      %mul3A_137 = arith.muli %scan3A_111, %mul3A_136 : i32
      %add3A_138 = arith.constant 1 : i32
      %add3A_139 = arith.addi %mul3A_137, %add3A_138 : i32
      %mul3A_140 = arith.constant 130 : i32
      %mul3A_141 = arith.muli %select_n3A_30, %mul3A_140 : i32
      %add3A_142 = arith.addi %mul3A_141, %add3A_139 : i32
      %mul3A_143 = arith.constant 1920 : i32
      %mul3A_144 = arith.muli %add3A_142, %mul3A_143 : i32
      %multiple_of3A_145 = tpu.assume_multiple %mul3A_144, 128 : i32
      %dma_wait3A_146 = tpu.memref_slice %arg2[%multiple_of3A, %multiple_of3A_145] : memref<64x1000000xf32, #tpu.memory_space<hbm>> -> memref<8x1920xf32, #tpu.memory_space<hbm>>
      %dma_wait3A_147 = tpu.memref_slice %arg2[%multiple_of3A, %multiple_of3A_145] : memref<64x1000000xf32, #tpu.memory_space<hbm>> -> memref<8x1920xf32, #tpu.memory_space<hbm>>
      tpu.wait_dma2 semaphore(%arg9 : memref<!tpu.dma_semaphore, #tpu.memory_space<semaphore_mem>>) src(%dma_wait3A_147 : memref<8x1920xf32, #tpu.memory_space<hbm>>) dst(%arg5 : memref<8x1920xf32, #tpu.memory_space<vmem>>)
      %ge3A_148 = arith.constant 1 : i32
      %ge3A_149 = arith.cmpi sge, %scan3A_111, %ge3A_148 : i32
      %convert_element_type3A_150 = arith.extui %ge3A_149 : i1 to i32
      %cond3A_151 = arith.constant 0 : i32
      %cond3A_152 = arith.cmpi ne, %convert_element_type3A_150, %cond3A_151 : i32
      scf.if %cond3A_152 {
        %dma_wait3A_163 = tpu.memref_slice %arg3[%multiple_of3A, %multiple_of3A_145] : memref<64x1000000xf32, #tpu.memory_space<hbm>> -> memref<8x1920xf32, #tpu.memory_space<hbm>>
        %dma_wait3A_164 = tpu.memref_slice %arg3[%multiple_of3A, %multiple_of3A_145] : memref<64x1000000xf32, #tpu.memory_space<hbm>> -> memref<8x1920xf32, #tpu.memory_space<hbm>>
        tpu.wait_dma2 semaphore(%arg11 : memref<!tpu.dma_semaphore, #tpu.memory_space<semaphore_mem>>) src(%arg7 : memref<8x1920xf32, #tpu.memory_space<vmem>>) dst(%dma_wait3A_164 : memref<8x1920xf32, #tpu.memory_space<hbm>>)
      } else {
      }
      %parallel_loop3A_153 = arith.constant 0 : i32
      %parallel_loop3A_154 = arith.constant 120 : i32
      %parallel_loop3A_155 = arith.constant 1 : i32
      scf.for %parallel_loop3A_163 = %parallel_loop3A_153 to %parallel_loop3A_154 step %parallel_loop3A_155  : i32 {
        %parallel_loop3A_164 = arith.constant 16 : i32
        %parallel_loop3A_165 = arith.muli %parallel_loop3A_163, %parallel_loop3A_164 : i32
        %parallel_loop3A_166 = arith.constant 0 : i32
        %parallel_loop3A_167 = arith.index_cast %parallel_loop3A_166 : i32 to index
        %parallel_loop3A_168 = arith.index_cast %parallel_loop3A_165 : i32 to index
        %parallel_loop3A_169 = tpu.vector_load %arg5[%parallel_loop3A_167, %parallel_loop3A_168] {strides = array<i32>} : memref<8x1920xf32, #tpu.memory_space<vmem>>, vector<1x16xf32>,
        %parallel_loop3A_170 = vector.shape_cast %parallel_loop3A_169 : vector<1x16xf32> to vector<16xf32>
        %parallel_loop3A_171 = arith.constant 1.000000e+01 : f32
        %parallel_loop3A_172 = vector.broadcast %parallel_loop3A_171 : f32 to vector<16xf32>
        %parallel_loop3A_173 = arith.mulf %parallel_loop3A_170, %parallel_loop3A_172 : vector<16xf32>
        %parallel_loop3A_174 = arith.constant 0 : i32
        %parallel_loop3A_175 = arith.index_cast %parallel_loop3A_174 : i32 to index
        %parallel_loop3A_176 = arith.index_cast %parallel_loop3A_165 : i32 to index
        %parallel_loop3A_177 = tpu.vector_load %arg7[%parallel_loop3A_175, %parallel_loop3A_176] {strides = array<i32>} : memref<8x1920xf32, #tpu.memory_space<vmem>>, vector<1x16xf32>,
        %parallel_loop3A_178 = vector.shape_cast %parallel_loop3A_177 : vector<1x16xf32> to vector<16xf32>
        %parallel_loop3A_179 = vector.shape_cast %parallel_loop3A_173 : vector<16xf32> to vector<1x16xf32>
        tpu.vector_store %arg7[%parallel_loop3A_175, %parallel_loop3A_176], %parallel_loop3A_179 {strides = array<i32>} : memref<8x1920xf32, #tpu.memory_space<vmem>>, vector<1x16xf32>,
        %parallel_loop3A_180 = arith.constant 1 : i32
        %parallel_loop3A_181 = arith.index_cast %parallel_loop3A_180 : i32 to index
        %parallel_loop3A_182 = arith.index_cast %parallel_loop3A_165 : i32 to index
        %parallel_loop3A_183 = tpu.vector_load %arg5[%parallel_loop3A_181, %parallel_loop3A_182] {strides = array<i32>} : memref<8x1920xf32, #tpu.memory_space<vmem>>, vector<1x16xf32>,
        %parallel_loop3A_184 = vector.shape_cast %parallel_loop3A_183 : vector<1x16xf32> to vector<16xf32>
        %parallel_loop3A_185 = arith.constant 1.000000e+01 : f32
        %parallel_loop3A_186 = vector.broadcast %parallel_loop3A_185 : f32 to vector<16xf32>
        %parallel_loop3A_187 = arith.mulf %parallel_loop3A_184, %parallel_loop3A_186 : vector<16xf32>
        %parallel_loop3A_188 = arith.constant 1 : i32
        %parallel_loop3A_189 = arith.index_cast %parallel_loop3A_188 : i32 to index
        %parallel_loop3A_190 = arith.index_cast %parallel_loop3A_165 : i32 to index
        %parallel_loop3A_191 = tpu.vector_load %arg7[%parallel_loop3A_189, %parallel_loop3A_190] {strides = array<i32>} : memref<8x1920xf32, #tpu.memory_space<vmem>>, vector<1x16xf32>,
        %parallel_loop3A_192 = vector.shape_cast %parallel_loop3A_191 : vector<1x16xf32> to vector<16xf32>
        %parallel_loop3A_193 = vector.shape_cast %parallel_loop3A_187 : vector<16xf32> to vector<1x16xf32>
        tpu.vector_store %arg7[%parallel_loop3A_189, %parallel_loop3A_190], %parallel_loop3A_193 {strides = array<i32>} : memref<8x1920xf32, #tpu.memory_space<vmem>>, vector<1x16xf32>,
        %parallel_loop3A_194 = arith.constant 2 : i32
        %parallel_loop3A_195 = arith.index_cast %parallel_loop3A_194 : i32 to index
        %parallel_loop3A_196 = arith.index_cast %parallel_loop3A_165 : i32 to index
        %parallel_loop3A_197 = tpu.vector_load %arg5[%parallel_loop3A_195, %parallel_loop3A_196] {strides = array<i32>} : memref<8x1920xf32, #tpu.memory_space<vmem>>, vector<1x16xf32>,
        %parallel_loop3A_198 = vector.shape_cast %parallel_loop3A_197 : vector<1x16xf32> to vector<16xf32>
        %parallel_loop3A_199 = arith.constant 1.000000e+01 : f32
        %parallel_loop3A_200 = vector.broadcast %parallel_loop3A_199 : f32 to vector<16xf32>
        %parallel_loop3A_201 = arith.mulf %parallel_loop3A_198, %parallel_loop3A_200 : vector<16xf32>
        %parallel_loop3A_202 = arith.constant 2 : i32
        %parallel_loop3A_203 = arith.index_cast %parallel_loop3A_202 : i32 to index
        %parallel_loop3A_204 = arith.index_cast %parallel_loop3A_165 : i32 to index
        %parallel_loop3A_205 = tpu.vector_load %arg7[%parallel_loop3A_203, %parallel_loop3A_204] {strides = array<i32>} : memref<8x1920xf32, #tpu.memory_space<vmem>>, vector<1x16xf32>,
        %parallel_loop3A_206 = vector.shape_cast %parallel_loop3A_205 : vector<1x16xf32> to vector<16xf32>
        %parallel_loop3A_207 = vector.shape_cast %parallel_loop3A_201 : vector<16xf32> to vector<1x16xf32>
        tpu.vector_store %arg7[%parallel_loop3A_203, %parallel_loop3A_204], %parallel_loop3A_207 {strides = array<i32>} : memref<8x1920xf32, #tpu.memory_space<vmem>>, vector<1x16xf32>,
        %parallel_loop3A_208 = arith.constant 3 : i32
        %parallel_loop3A_209 = arith.index_cast %parallel_loop3A_208 : i32 to index
        %parallel_loop3A_210 = arith.index_cast %parallel_loop3A_165 : i32 to index
        %parallel_loop3A_211 = tpu.vector_load %arg5[%parallel_loop3A_209, %parallel_loop3A_210] {strides = array<i32>} : memref<8x1920xf32, #tpu.memory_space<vmem>>, vector<1x16xf32>,
        %parallel_loop3A_212 = vector.shape_cast %parallel_loop3A_211 : vector<1x16xf32> to vector<16xf32>
        %parallel_loop3A_213 = arith.constant 1.000000e+01 : f32
        %parallel_loop3A_214 = vector.broadcast %parallel_loop3A_213 : f32 to vector<16xf32>
        %parallel_loop3A_215 = arith.mulf %parallel_loop3A_212, %parallel_loop3A_214 : vector<16xf32>
        %parallel_loop3A_216 = arith.constant 3 : i32
        %parallel_loop3A_217 = arith.index_cast %parallel_loop3A_216 : i32 to index
        %parallel_loop3A_218 = arith.index_cast %parallel_loop3A_165 : i32 to index
        %parallel_loop3A_219 = tpu.vector_load %arg7[%parallel_loop3A_217, %parallel_loop3A_218] {strides = array<i32>} : memref<8x1920xf32, #tpu.memory_space<vmem>>, vector<1x16xf32>,
        %parallel_loop3A_220 = vector.shape_cast %parallel_loop3A_219 : vector<1x16xf32> to vector<16xf32>
        %parallel_loop3A_221 = vector.shape_cast %parallel_loop3A_215 : vector<16xf32> to vector<1x16xf32>
        tpu.vector_store %arg7[%parallel_loop3A_217, %parallel_loop3A_218], %parallel_loop3A_221 {strides = array<i32>} : memref<8x1920xf32, #tpu.memory_space<vmem>>, vector<1x16xf32>,
        %parallel_loop3A_222 = arith.constant 4 : i32
        %parallel_loop3A_223 = arith.index_cast %parallel_loop3A_222 : i32 to index
        %parallel_loop3A_224 = arith.index_cast %parallel_loop3A_165 : i32 to index
        %parallel_loop3A_225 = tpu.vector_load %arg5[%parallel_loop3A_223, %parallel_loop3A_224] {strides = array<i32>} : memref<8x1920xf32, #tpu.memory_space<vmem>>, vector<1x16xf32>,
        %parallel_loop3A_226 = vector.shape_cast %parallel_loop3A_225 : vector<1x16xf32> to vector<16xf32>
        %parallel_loop3A_227 = arith.constant 1.000000e+01 : f32
        %parallel_loop3A_228 = vector.broadcast %parallel_loop3A_227 : f32 to vector<16xf32>
        %parallel_loop3A_229 = arith.mulf %parallel_loop3A_226, %parallel_loop3A_228 : vector<16xf32>
        %parallel_loop3A_230 = arith.constant 4 : i32
        %parallel_loop3A_231 = arith.index_cast %parallel_loop3A_230 : i32 to index
        %parallel_loop3A_232 = arith.index_cast %parallel_loop3A_165 : i32 to index
        %parallel_loop3A_233 = tpu.vector_load %arg7[%parallel_loop3A_231, %parallel_loop3A_232] {strides = array<i32>} : memref<8x1920xf32, #tpu.memory_space<vmem>>, vector<1x16xf32>,
        %parallel_loop3A_234 = vector.shape_cast %parallel_loop3A_233 : vector<1x16xf32> to vector<16xf32>
        %parallel_loop3A_235 = vector.shape_cast %parallel_loop3A_229 : vector<16xf32> to vector<1x16xf32>
        tpu.vector_store %arg7[%parallel_loop3A_231, %parallel_loop3A_232], %parallel_loop3A_235 {strides = array<i32>} : memref<8x1920xf32, #tpu.memory_space<vmem>>, vector<1x16xf32>,
        %parallel_loop3A_236 = arith.constant 5 : i32
        %parallel_loop3A_237 = arith.index_cast %parallel_loop3A_236 : i32 to index
        %parallel_loop3A_238 = arith.index_cast %parallel_loop3A_165 : i32 to index
        %parallel_loop3A_239 = tpu.vector_load %arg5[%parallel_loop3A_237, %parallel_loop3A_238] {strides = array<i32>} : memref<8x1920xf32, #tpu.memory_space<vmem>>, vector<1x16xf32>,
        %parallel_loop3A_240 = vector.shape_cast %parallel_loop3A_239 : vector<1x16xf32> to vector<16xf32>
        %parallel_loop3A_241 = arith.constant 1.000000e+01 : f32
        %parallel_loop3A_242 = vector.broadcast %parallel_loop3A_241 : f32 to vector<16xf32>
        %parallel_loop3A_243 = arith.mulf %parallel_loop3A_240, %parallel_loop3A_242 : vector<16xf32>
        %parallel_loop3A_244 = arith.constant 5 : i32
        %parallel_loop3A_245 = arith.index_cast %parallel_loop3A_244 : i32 to index
        %parallel_loop3A_246 = arith.index_cast %parallel_loop3A_165 : i32 to index
        %parallel_loop3A_247 = tpu.vector_load %arg7[%parallel_loop3A_245, %parallel_loop3A_246] {strides = array<i32>} : memref<8x1920xf32, #tpu.memory_space<vmem>>, vector<1x16xf32>,
        %parallel_loop3A_248 = vector.shape_cast %parallel_loop3A_247 : vector<1x16xf32> to vector<16xf32>
        %parallel_loop3A_249 = vector.shape_cast %parallel_loop3A_243 : vector<16xf32> to vector<1x16xf32>
        tpu.vector_store %arg7[%parallel_loop3A_245, %parallel_loop3A_246], %parallel_loop3A_249 {strides = array<i32>} : memref<8x1920xf32, #tpu.memory_space<vmem>>, vector<1x16xf32>,
        %parallel_loop3A_250 = arith.constant 6 : i32
        %parallel_loop3A_251 = arith.index_cast %parallel_loop3A_250 : i32 to index
        %parallel_loop3A_252 = arith.index_cast %parallel_loop3A_165 : i32 to index
        %parallel_loop3A_253 = tpu.vector_load %arg5[%parallel_loop3A_251, %parallel_loop3A_252] {strides = array<i32>} : memref<8x1920xf32, #tpu.memory_space<vmem>>, vector<1x16xf32>,
        %parallel_loop3A_254 = vector.shape_cast %parallel_loop3A_253 : vector<1x16xf32> to vector<16xf32>
        %parallel_loop3A_255 = arith.constant 1.000000e+01 : f32
        %parallel_loop3A_256 = vector.broadcast %parallel_loop3A_255 : f32 to vector<16xf32>
        %parallel_loop3A_257 = arith.mulf %parallel_loop3A_254, %parallel_loop3A_256 : vector<16xf32>
        %parallel_loop3A_258 = arith.constant 6 : i32
        %parallel_loop3A_259 = arith.index_cast %parallel_loop3A_258 : i32 to index
        %parallel_loop3A_260 = arith.index_cast %parallel_loop3A_165 : i32 to index
        %parallel_loop3A_261 = tpu.vector_load %arg7[%parallel_loop3A_259, %parallel_loop3A_260] {strides = array<i32>} : memref<8x1920xf32, #tpu.memory_space<vmem>>, vector<1x16xf32>,
        %parallel_loop3A_262 = vector.shape_cast %parallel_loop3A_261 : vector<1x16xf32> to vector<16xf32>
        %parallel_loop3A_263 = vector.shape_cast %parallel_loop3A_257 : vector<16xf32> to vector<1x16xf32>
        tpu.vector_store %arg7[%parallel_loop3A_259, %parallel_loop3A_260], %parallel_loop3A_263 {strides = array<i32>} : memref<8x1920xf32, #tpu.memory_space<vmem>>, vector<1x16xf32>,
        %parallel_loop3A_264 = arith.constant 7 : i32
        %parallel_loop3A_265 = arith.index_cast %parallel_loop3A_264 : i32 to index
        %parallel_loop3A_266 = arith.index_cast %parallel_loop3A_165 : i32 to index
        %parallel_loop3A_267 = tpu.vector_load %arg5[%parallel_loop3A_265, %parallel_loop3A_266] {strides = array<i32>} : memref<8x1920xf32, #tpu.memory_space<vmem>>, vector<1x16xf32>,
        %parallel_loop3A_268 = vector.shape_cast %parallel_loop3A_267 : vector<1x16xf32> to vector<16xf32>
        %parallel_loop3A_269 = arith.constant 1.000000e+01 : f32
        %parallel_loop3A_270 = vector.broadcast %parallel_loop3A_269 : f32 to vector<16xf32>
        %parallel_loop3A_271 = arith.mulf %parallel_loop3A_268, %parallel_loop3A_270 : vector<16xf32>
        %parallel_loop3A_272 = arith.constant 7 : i32
        %parallel_loop3A_273 = arith.index_cast %parallel_loop3A_272 : i32 to index
        %parallel_loop3A_274 = arith.index_cast %parallel_loop3A_165 : i32 to index
        %parallel_loop3A_275 = tpu.vector_load %arg7[%parallel_loop3A_273, %parallel_loop3A_274] {strides = array<i32>} : memref<8x1920xf32, #tpu.memory_space<vmem>>, vector<1x16xf32>,
        %parallel_loop3A_276 = vector.shape_cast %parallel_loop3A_275 : vector<1x16xf32> to vector<16xf32>
        %parallel_loop3A_277 = vector.shape_cast %parallel_loop3A_271 : vector<16xf32> to vector<1x16xf32>
        tpu.vector_store %arg7[%parallel_loop3A_273, %parallel_loop3A_274], %parallel_loop3A_277 {strides = array<i32>} : memref<8x1920xf32, #tpu.memory_space<vmem>>, vector<1x16xf32>,
      } {sc.loop_unroll_factor = 4 : i64, sc.parallel_access}
      %dma_start3A_156 = tpu.memref_slice %arg3[%multiple_of3A, %multiple_of3A_145] : memref<64x1000000xf32, #tpu.memory_space<hbm>> -> memref<8x1920xf32, #tpu.memory_space<hbm>>
      %dma_start3A_157 = tpu.memref_slice %arg3[%multiple_of3A, %multiple_of3A_145] : memref<64x1000000xf32, #tpu.memory_space<hbm>> -> memref<8x1920xf32, #tpu.memory_space<hbm>>
      tpu.enqueue_dma source(%arg7 : memref<8x1920xf32, #tpu.memory_space<vmem>>) target(%dma_start3A_157 : memref<8x1920xf32, #tpu.memory_space<hbm>>) target_semaphore(%arg11 : memref<!tpu.dma_semaphore, #tpu.memory_space<semaphore_mem>>)
      %lt3A_158 = arith.constant 64 : i32
      %lt3A_159 = arith.cmpi slt, %scan3A_111, %lt3A_158 : i32
      %convert_element_type3A_160 = arith.extui %lt3A_159 : i1 to i32
      %cond3A_161 = arith.constant 0 : i32
      %cond3A_162 = arith.cmpi ne, %convert_element_type3A_160, %cond3A_161 : i32
      scf.if %cond3A_162 {
        %add3A_163 = arith.constant 2 : i32
        %add3A_164 = arith.addi %add3A_139, %add3A_163 : i32
        %mul3A_165 = arith.constant 130 : i32
        %mul3A_166 = arith.muli %select_n3A_30, %mul3A_165 : i32
        %add3A_167 = arith.addi %mul3A_166, %add3A_164 : i32
        %mul3A_168 = arith.constant 1920 : i32
        %mul3A_169 = arith.muli %add3A_167, %mul3A_168 : i32
        %multiple_of3A_170 = tpu.assume_multiple %mul3A_169, 128 : i32
        %dma_start3A_171 = tpu.memref_slice %arg2[%multiple_of3A, %multiple_of3A_170] : memref<64x1000000xf32, #tpu.memory_space<hbm>> -> memref<8x1920xf32, #tpu.memory_space<hbm>>
        %dma_start3A_172 = tpu.memref_slice %arg2[%multiple_of3A, %multiple_of3A_170] : memref<64x1000000xf32, #tpu.memory_space<hbm>> -> memref<8x1920xf32, #tpu.memory_space<hbm>>
        tpu.enqueue_dma source(%dma_start3A_172 : memref<8x1920xf32, #tpu.memory_space<hbm>>) target(%arg5 : memref<8x1920xf32, #tpu.memory_space<vmem>>) target_semaphore(%arg9 : memref<!tpu.dma_semaphore, #tpu.memory_space<semaphore_mem>>)
      } else {
      }
    }
    %scan3A_54 = arith.constant 65 : i32
    %mul3A_55 = arith.constant 384 : i32
    %mul3A_56 = arith.muli %select_n3A_30, %mul3A_55 : i32
    %add3A_57 = arith.constant 998400 : i32
    %add3A_58 = arith.addi %add3A_57, %mul3A_56 : i32
    %multiple_of3A_59 = tpu.assume_multiple %add3A_58, 128 : i32
    %dma_start3A_60 = arith.constant 0 : i32
    %dma_start3A_61 = arith.constant 0 : i32
    %dma_start3A_62 = tpu.memref_slice %arg4[%dma_start3A_60, %dma_start3A_61] : memref<8x1920xf32, #tpu.memory_space<vmem>> -> memref<8x384xf32, #tpu.memory_space<vmem>>
    %dma_start3A_63 = tpu.memref_slice %arg2[%multiple_of3A, %multiple_of3A_59] : memref<64x1000000xf32, #tpu.memory_space<hbm>> -> memref<8x384xf32, #tpu.memory_space<hbm>>
    %dma_start3A_64 = arith.constant 0 : i32
    %dma_start3A_65 = arith.constant 0 : i32
    %dma_start3A_66 = tpu.memref_slice %arg4[%dma_start3A_64, %dma_start3A_65] : memref<8x1920xf32, #tpu.memory_space<vmem>> -> memref<8x384xf32, #tpu.memory_space<vmem>>
    %dma_start3A_67 = tpu.memref_slice %arg2[%multiple_of3A, %multiple_of3A_59] : memref<64x1000000xf32, #tpu.memory_space<hbm>> -> memref<8x384xf32, #tpu.memory_space<hbm>>
    tpu.enqueue_dma source(%dma_start3A_67 : memref<8x384xf32, #tpu.memory_space<hbm>>) target(%dma_start3A_66 : memref<8x384xf32, #tpu.memory_space<vmem>>) target_semaphore(%arg8 : memref<!tpu.dma_semaphore, #tpu.memory_space<semaphore_mem>>)
    %mul3A_68 = arith.constant 130 : i32
    %mul3A_69 = arith.muli %select_n3A_30, %mul3A_68 : i32
    %add3A_70 = arith.constant 128 : i32
    %add3A_71 = arith.addi %mul3A_69, %add3A_70 : i32
    %mul3A_72 = arith.constant 1920 : i32
    %mul3A_73 = arith.muli %add3A_71, %mul3A_72 : i32
    %multiple_of3A_74 = tpu.assume_multiple %mul3A_73, 128 : i32
    %mul3A_75 = arith.constant 130 : i32
    %mul3A_76 = arith.muli %select_n3A_30, %mul3A_75 : i32
    %add3A_77 = arith.constant 129 : i32
    %add3A_78 = arith.addi %mul3A_76, %add3A_77 : i32
    %mul3A_79 = arith.constant 1920 : i32
    %mul3A_80 = arith.muli %add3A_78, %mul3A_79 : i32
    %multiple_of3A_81 = tpu.assume_multiple %mul3A_80, 128 : i32
    %dma_wait3A = tpu.memref_slice %arg3[%multiple_of3A, %multiple_of3A_74] : memref<64x1000000xf32, #tpu.memory_space<hbm>> -> memref<8x1920xf32, #tpu.memory_space<hbm>>
    %dma_wait3A_82 = tpu.memref_slice %arg3[%multiple_of3A, %multiple_of3A_74] : memref<64x1000000xf32, #tpu.memory_space<hbm>> -> memref<8x1920xf32, #tpu.memory_space<hbm>>
    tpu.wait_dma2 semaphore(%arg10 : memref<!tpu.dma_semaphore, #tpu.memory_space<semaphore_mem>>) src(%arg6 : memref<8x1920xf32, #tpu.memory_space<vmem>>) dst(%dma_wait3A_82 : memref<8x1920xf32, #tpu.memory_space<hbm>>)
    %dma_wait3A_83 = tpu.memref_slice %arg3[%multiple_of3A, %multiple_of3A_81] : memref<64x1000000xf32, #tpu.memory_space<hbm>> -> memref<8x1920xf32, #tpu.memory_space<hbm>>
    %dma_wait3A_84 = tpu.memref_slice %arg3[%multiple_of3A, %multiple_of3A_81] : memref<64x1000000xf32, #tpu.memory_space<hbm>> -> memref<8x1920xf32, #tpu.memory_space<hbm>>
    tpu.wait_dma2 semaphore(%arg11 : memref<!tpu.dma_semaphore, #tpu.memory_space<semaphore_mem>>) src(%arg7 : memref<8x1920xf32, #tpu.memory_space<vmem>>) dst(%dma_wait3A_84 : memref<8x1920xf32, #tpu.memory_space<hbm>>)
    %dma_wait3A_85 = arith.constant 0 : i32
    %dma_wait3A_86 = arith.constant 0 : i32
    %dma_wait3A_87 = tpu.memref_slice %arg4[%dma_wait3A_85, %dma_wait3A_86] : memref<8x1920xf32, #tpu.memory_space<vmem>> -> memref<8x384xf32, #tpu.memory_space<vmem>>
    %dma_wait3A_88 = tpu.memref_slice %arg2[%multiple_of3A, %multiple_of3A_59] : memref<64x1000000xf32, #tpu.memory_space<hbm>> -> memref<8x384xf32, #tpu.memory_space<hbm>>
    %dma_wait3A_89 = arith.constant 0 : i32
    %dma_wait3A_90 = arith.constant 0 : i32
    %dma_wait3A_91 = tpu.memref_slice %arg4[%dma_wait3A_89, %dma_wait3A_90] : memref<8x1920xf32, #tpu.memory_space<vmem>> -> memref<8x384xf32, #tpu.memory_space<vmem>>
    %dma_wait3A_92 = tpu.memref_slice %arg2[%multiple_of3A, %multiple_of3A_59] : memref<64x1000000xf32, #tpu.memory_space<hbm>> -> memref<8x384xf32, #tpu.memory_space<hbm>>
    tpu.wait_dma2 semaphore(%arg8 : memref<!tpu.dma_semaphore, #tpu.memory_space<semaphore_mem>>) src(%dma_wait3A_92 : memref<8x384xf32, #tpu.memory_space<hbm>>) dst(%dma_wait3A_91 : memref<8x384xf32, #tpu.memory_space<vmem>>)
    %parallel_loop3A = arith.constant 0 : i32
    %parallel_loop3A_93 = arith.constant 24 : i32
    %parallel_loop3A_94 = arith.constant 1 : i32
    scf.for %parallel_loop3A_111 = %parallel_loop3A to %parallel_loop3A_93 step %parallel_loop3A_94  : i32 {
      %parallel_loop3A_112 = arith.constant 16 : i32
      %parallel_loop3A_113 = arith.muli %parallel_loop3A_111, %parallel_loop3A_112 : i32
      %parallel_loop3A_114 = arith.constant 0 : i32
      %parallel_loop3A_115 = arith.index_cast %parallel_loop3A_114 : i32 to index
      %parallel_loop3A_116 = arith.index_cast %parallel_loop3A_113 : i32 to index
      %parallel_loop3A_117 = tpu.vector_load %arg4[%parallel_loop3A_115, %parallel_loop3A_116] {strides = array<i32>} : memref<8x1920xf32, #tpu.memory_space<vmem>>, vector<1x16xf32>,
      %parallel_loop3A_118 = vector.shape_cast %parallel_loop3A_117 : vector<1x16xf32> to vector<16xf32>
      %parallel_loop3A_119 = arith.constant 1.000000e+01 : f32
      %parallel_loop3A_120 = vector.broadcast %parallel_loop3A_119 : f32 to vector<16xf32>
      %parallel_loop3A_121 = arith.mulf %parallel_loop3A_118, %parallel_loop3A_120 : vector<16xf32>
      %parallel_loop3A_122 = arith.constant 0 : i32
      %parallel_loop3A_123 = arith.index_cast %parallel_loop3A_122 : i32 to index
      %parallel_loop3A_124 = arith.index_cast %parallel_loop3A_113 : i32 to index
      %parallel_loop3A_125 = tpu.vector_load %arg6[%parallel_loop3A_123, %parallel_loop3A_124] {strides = array<i32>} : memref<8x1920xf32, #tpu.memory_space<vmem>>, vector<1x16xf32>,
      %parallel_loop3A_126 = vector.shape_cast %parallel_loop3A_125 : vector<1x16xf32> to vector<16xf32>
      %parallel_loop3A_127 = vector.shape_cast %parallel_loop3A_121 : vector<16xf32> to vector<1x16xf32>
      tpu.vector_store %arg6[%parallel_loop3A_123, %parallel_loop3A_124], %parallel_loop3A_127 {strides = array<i32>} : memref<8x1920xf32, #tpu.memory_space<vmem>>, vector<1x16xf32>,
      %parallel_loop3A_128 = arith.constant 1 : i32
      %parallel_loop3A_129 = arith.index_cast %parallel_loop3A_128 : i32 to index
      %parallel_loop3A_130 = arith.index_cast %parallel_loop3A_113 : i32 to index
      %parallel_loop3A_131 = tpu.vector_load %arg4[%parallel_loop3A_129, %parallel_loop3A_130] {strides = array<i32>} : memref<8x1920xf32, #tpu.memory_space<vmem>>, vector<1x16xf32>,
      %parallel_loop3A_132 = vector.shape_cast %parallel_loop3A_131 : vector<1x16xf32> to vector<16xf32>
      %parallel_loop3A_133 = arith.constant 1.000000e+01 : f32
      %parallel_loop3A_134 = vector.broadcast %parallel_loop3A_133 : f32 to vector<16xf32>
      %parallel_loop3A_135 = arith.mulf %parallel_loop3A_132, %parallel_loop3A_134 : vector<16xf32>
      %parallel_loop3A_136 = arith.constant 1 : i32
      %parallel_loop3A_137 = arith.index_cast %parallel_loop3A_136 : i32 to index
      %parallel_loop3A_138 = arith.index_cast %parallel_loop3A_113 : i32 to index
      %parallel_loop3A_139 = tpu.vector_load %arg6[%parallel_loop3A_137, %parallel_loop3A_138] {strides = array<i32>} : memref<8x1920xf32, #tpu.memory_space<vmem>>, vector<1x16xf32>,
      %parallel_loop3A_140 = vector.shape_cast %parallel_loop3A_139 : vector<1x16xf32> to vector<16xf32>
      %parallel_loop3A_141 = vector.shape_cast %parallel_loop3A_135 : vector<16xf32> to vector<1x16xf32>
      tpu.vector_store %arg6[%parallel_loop3A_137, %parallel_loop3A_138], %parallel_loop3A_141 {strides = array<i32>} : memref<8x1920xf32, #tpu.memory_space<vmem>>, vector<1x16xf32>,
      %parallel_loop3A_142 = arith.constant 2 : i32
      %parallel_loop3A_143 = arith.index_cast %parallel_loop3A_142 : i32 to index
      %parallel_loop3A_144 = arith.index_cast %parallel_loop3A_113 : i32 to index
      %parallel_loop3A_145 = tpu.vector_load %arg4[%parallel_loop3A_143, %parallel_loop3A_144] {strides = array<i32>} : memref<8x1920xf32, #tpu.memory_space<vmem>>, vector<1x16xf32>,
      %parallel_loop3A_146 = vector.shape_cast %parallel_loop3A_145 : vector<1x16xf32> to vector<16xf32>
      %parallel_loop3A_147 = arith.constant 1.000000e+01 : f32
      %parallel_loop3A_148 = vector.broadcast %parallel_loop3A_147 : f32 to vector<16xf32>
      %parallel_loop3A_149 = arith.mulf %parallel_loop3A_146, %parallel_loop3A_148 : vector<16xf32>
      %parallel_loop3A_150 = arith.constant 2 : i32
      %parallel_loop3A_151 = arith.index_cast %parallel_loop3A_150 : i32 to index
      %parallel_loop3A_152 = arith.index_cast %parallel_loop3A_113 : i32 to index
      %parallel_loop3A_153 = tpu.vector_load %arg6[%parallel_loop3A_151, %parallel_loop3A_152] {strides = array<i32>} : memref<8x1920xf32, #tpu.memory_space<vmem>>, vector<1x16xf32>,
      %parallel_loop3A_154 = vector.shape_cast %parallel_loop3A_153 : vector<1x16xf32> to vector<16xf32>
      %parallel_loop3A_155 = vector.shape_cast %parallel_loop3A_149 : vector<16xf32> to vector<1x16xf32>
      tpu.vector_store %arg6[%parallel_loop3A_151, %parallel_loop3A_152], %parallel_loop3A_155 {strides = array<i32>} : memref<8x1920xf32, #tpu.memory_space<vmem>>, vector<1x16xf32>,
      %parallel_loop3A_156 = arith.constant 3 : i32
      %parallel_loop3A_157 = arith.index_cast %parallel_loop3A_156 : i32 to index
      %parallel_loop3A_158 = arith.index_cast %parallel_loop3A_113 : i32 to index
      %parallel_loop3A_159 = tpu.vector_load %arg4[%parallel_loop3A_157, %parallel_loop3A_158] {strides = array<i32>} : memref<8x1920xf32, #tpu.memory_space<vmem>>, vector<1x16xf32>,
      %parallel_loop3A_160 = vector.shape_cast %parallel_loop3A_159 : vector<1x16xf32> to vector<16xf32>
      %parallel_loop3A_161 = arith.constant 1.000000e+01 : f32
      %parallel_loop3A_162 = vector.broadcast %parallel_loop3A_161 : f32 to vector<16xf32>
      %parallel_loop3A_163 = arith.mulf %parallel_loop3A_160, %parallel_loop3A_162 : vector<16xf32>
      %parallel_loop3A_164 = arith.constant 3 : i32
      %parallel_loop3A_165 = arith.index_cast %parallel_loop3A_164 : i32 to index
      %parallel_loop3A_166 = arith.index_cast %parallel_loop3A_113 : i32 to index
      %parallel_loop3A_167 = tpu.vector_load %arg6[%parallel_loop3A_165, %parallel_loop3A_166] {strides = array<i32>} : memref<8x1920xf32, #tpu.memory_space<vmem>>, vector<1x16xf32>,
      %parallel_loop3A_168 = vector.shape_cast %parallel_loop3A_167 : vector<1x16xf32> to vector<16xf32>
      %parallel_loop3A_169 = vector.shape_cast %parallel_loop3A_163 : vector<16xf32> to vector<1x16xf32>
      tpu.vector_store %arg6[%parallel_loop3A_165, %parallel_loop3A_166], %parallel_loop3A_169 {strides = array<i32>} : memref<8x1920xf32, #tpu.memory_space<vmem>>, vector<1x16xf32>,
      %parallel_loop3A_170 = arith.constant 4 : i32
      %parallel_loop3A_171 = arith.index_cast %parallel_loop3A_170 : i32 to index
      %parallel_loop3A_172 = arith.index_cast %parallel_loop3A_113 : i32 to index
      %parallel_loop3A_173 = tpu.vector_load %arg4[%parallel_loop3A_171, %parallel_loop3A_172] {strides = array<i32>} : memref<8x1920xf32, #tpu.memory_space<vmem>>, vector<1x16xf32>,
      %parallel_loop3A_174 = vector.shape_cast %parallel_loop3A_173 : vector<1x16xf32> to vector<16xf32>
      %parallel_loop3A_175 = arith.constant 1.000000e+01 : f32
      %parallel_loop3A_176 = vector.broadcast %parallel_loop3A_175 : f32 to vector<16xf32>
      %parallel_loop3A_177 = arith.mulf %parallel_loop3A_174, %parallel_loop3A_176 : vector<16xf32>
      %parallel_loop3A_178 = arith.constant 4 : i32
      %parallel_loop3A_179 = arith.index_cast %parallel_loop3A_178 : i32 to index
      %parallel_loop3A_180 = arith.index_cast %parallel_loop3A_113 : i32 to index
      %parallel_loop3A_181 = tpu.vector_load %arg6[%parallel_loop3A_179, %parallel_loop3A_180] {strides = array<i32>} : memref<8x1920xf32, #tpu.memory_space<vmem>>, vector<1x16xf32>,
      %parallel_loop3A_182 = vector.shape_cast %parallel_loop3A_181 : vector<1x16xf32> to vector<16xf32>
      %parallel_loop3A_183 = vector.shape_cast %parallel_loop3A_177 : vector<16xf32> to vector<1x16xf32>
      tpu.vector_store %arg6[%parallel_loop3A_179, %parallel_loop3A_180], %parallel_loop3A_183 {strides = array<i32>} : memref<8x1920xf32, #tpu.memory_space<vmem>>, vector<1x16xf32>,
      %parallel_loop3A_184 = arith.constant 5 : i32
      %parallel_loop3A_185 = arith.index_cast %parallel_loop3A_184 : i32 to index
      %parallel_loop3A_186 = arith.index_cast %parallel_loop3A_113 : i32 to index
      %parallel_loop3A_187 = tpu.vector_load %arg4[%parallel_loop3A_185, %parallel_loop3A_186] {strides = array<i32>} : memref<8x1920xf32, #tpu.memory_space<vmem>>, vector<1x16xf32>,
      %parallel_loop3A_188 = vector.shape_cast %parallel_loop3A_187 : vector<1x16xf32> to vector<16xf32>
      %parallel_loop3A_189 = arith.constant 1.000000e+01 : f32
      %parallel_loop3A_190 = vector.broadcast %parallel_loop3A_189 : f32 to vector<16xf32>
      %parallel_loop3A_191 = arith.mulf %parallel_loop3A_188, %parallel_loop3A_190 : vector<16xf32>
      %parallel_loop3A_192 = arith.constant 5 : i32
      %parallel_loop3A_193 = arith.index_cast %parallel_loop3A_192 : i32 to index
      %parallel_loop3A_194 = arith.index_cast %parallel_loop3A_113 : i32 to index
      %parallel_loop3A_195 = tpu.vector_load %arg6[%parallel_loop3A_193, %parallel_loop3A_194] {strides = array<i32>} : memref<8x1920xf32, #tpu.memory_space<vmem>>, vector<1x16xf32>,
      %parallel_loop3A_196 = vector.shape_cast %parallel_loop3A_195 : vector<1x16xf32> to vector<16xf32>
      %parallel_loop3A_197 = vector.shape_cast %parallel_loop3A_191 : vector<16xf32> to vector<1x16xf32>
      tpu.vector_store %arg6[%parallel_loop3A_193, %parallel_loop3A_194], %parallel_loop3A_197 {strides = array<i32>} : memref<8x1920xf32, #tpu.memory_space<vmem>>, vector<1x16xf32>,
      %parallel_loop3A_198 = arith.constant 6 : i32
      %parallel_loop3A_199 = arith.index_cast %parallel_loop3A_198 : i32 to index
      %parallel_loop3A_200 = arith.index_cast %parallel_loop3A_113 : i32 to index
      %parallel_loop3A_201 = tpu.vector_load %arg4[%parallel_loop3A_199, %parallel_loop3A_200] {strides = array<i32>} : memref<8x1920xf32, #tpu.memory_space<vmem>>, vector<1x16xf32>,
      %parallel_loop3A_202 = vector.shape_cast %parallel_loop3A_201 : vector<1x16xf32> to vector<16xf32>
      %parallel_loop3A_203 = arith.constant 1.000000e+01 : f32
      %parallel_loop3A_204 = vector.broadcast %parallel_loop3A_203 : f32 to vector<16xf32>
      %parallel_loop3A_205 = arith.mulf %parallel_loop3A_202, %parallel_loop3A_204 : vector<16xf32>
      %parallel_loop3A_206 = arith.constant 6 : i32
      %parallel_loop3A_207 = arith.index_cast %parallel_loop3A_206 : i32 to index
      %parallel_loop3A_208 = arith.index_cast %parallel_loop3A_113 : i32 to index
      %parallel_loop3A_209 = tpu.vector_load %arg6[%parallel_loop3A_207, %parallel_loop3A_208] {strides = array<i32>} : memref<8x1920xf32, #tpu.memory_space<vmem>>, vector<1x16xf32>,
      %parallel_loop3A_210 = vector.shape_cast %parallel_loop3A_209 : vector<1x16xf32> to vector<16xf32>
      %parallel_loop3A_211 = vector.shape_cast %parallel_loop3A_205 : vector<16xf32> to vector<1x16xf32>
      tpu.vector_store %arg6[%parallel_loop3A_207, %parallel_loop3A_208], %parallel_loop3A_211 {strides = array<i32>} : memref<8x1920xf32, #tpu.memory_space<vmem>>, vector<1x16xf32>,
      %parallel_loop3A_212 = arith.constant 7 : i32
      %parallel_loop3A_213 = arith.index_cast %parallel_loop3A_212 : i32 to index
      %parallel_loop3A_214 = arith.index_cast %parallel_loop3A_113 : i32 to index
      %parallel_loop3A_215 = tpu.vector_load %arg4[%parallel_loop3A_213, %parallel_loop3A_214] {strides = array<i32>} : memref<8x1920xf32, #tpu.memory_space<vmem>>, vector<1x16xf32>,
      %parallel_loop3A_216 = vector.shape_cast %parallel_loop3A_215 : vector<1x16xf32> to vector<16xf32>
      %parallel_loop3A_217 = arith.constant 1.000000e+01 : f32
      %parallel_loop3A_218 = vector.broadcast %parallel_loop3A_217 : f32 to vector<16xf32>
      %parallel_loop3A_219 = arith.mulf %parallel_loop3A_216, %parallel_loop3A_218 : vector<16xf32>
      %parallel_loop3A_220 = arith.constant 7 : i32
      %parallel_loop3A_221 = arith.index_cast %parallel_loop3A_220 : i32 to index
      %parallel_loop3A_222 = arith.index_cast %parallel_loop3A_113 : i32 to index
      %parallel_loop3A_223 = tpu.vector_load %arg6[%parallel_loop3A_221, %parallel_loop3A_222] {strides = array<i32>} : memref<8x1920xf32, #tpu.memory_space<vmem>>, vector<1x16xf32>,
      %parallel_loop3A_224 = vector.shape_cast %parallel_loop3A_223 : vector<1x16xf32> to vector<16xf32>
      %parallel_loop3A_225 = vector.shape_cast %parallel_loop3A_219 : vector<16xf32> to vector<1x16xf32>
      tpu.vector_store %arg6[%parallel_loop3A_221, %parallel_loop3A_222], %parallel_loop3A_225 {strides = array<i32>} : memref<8x1920xf32, #tpu.memory_space<vmem>>, vector<1x16xf32>,
    } {sc.loop_unroll_factor = 4 : i64, sc.parallel_access}
    %dma_start3A_95 = arith.constant 0 : i32
    %dma_start3A_96 = arith.constant 0 : i32
    %dma_start3A_97 = tpu.memref_slice %arg6[%dma_start3A_95, %dma_start3A_96] : memref<8x1920xf32, #tpu.memory_space<vmem>> -> memref<8x384xf32, #tpu.memory_space<vmem>>
    %dma_start3A_98 = tpu.memref_slice %arg3[%multiple_of3A, %multiple_of3A_59] : memref<64x1000000xf32, #tpu.memory_space<hbm>> -> memref<8x384xf32, #tpu.memory_space<hbm>>
    %dma_start3A_99 = tpu.memref_slice %arg3[%multiple_of3A, %multiple_of3A_59] : memref<64x1000000xf32, #tpu.memory_space<hbm>> -> memref<8x384xf32, #tpu.memory_space<hbm>>
    %dma_start3A_100 = arith.constant 0 : i32
    %dma_start3A_101 = arith.constant 0 : i32
    %dma_start3A_102 = tpu.memref_slice %arg6[%dma_start3A_100, %dma_start3A_101] : memref<8x1920xf32, #tpu.memory_space<vmem>> -> memref<8x384xf32, #tpu.memory_space<vmem>>
    tpu.enqueue_dma source(%dma_start3A_102 : memref<8x384xf32, #tpu.memory_space<vmem>>) target(%dma_start3A_99 : memref<8x384xf32, #tpu.memory_space<hbm>>) target_semaphore(%arg10 : memref<!tpu.dma_semaphore, #tpu.memory_space<semaphore_mem>>)
    %dma_wait3A_103 = arith.constant 0 : i32
    %dma_wait3A_104 = arith.constant 0 : i32
    %dma_wait3A_105 = tpu.memref_slice %arg6[%dma_wait3A_103, %dma_wait3A_104] : memref<8x1920xf32, #tpu.memory_space<vmem>> -> memref<8x384xf32, #tpu.memory_space<vmem>>
    %dma_wait3A_106 = tpu.memref_slice %arg3[%multiple_of3A, %multiple_of3A_59] : memref<64x1000000xf32, #tpu.memory_space<hbm>> -> memref<8x384xf32, #tpu.memory_space<hbm>>
    %dma_wait3A_107 = tpu.memref_slice %arg3[%multiple_of3A, %multiple_of3A_59] : memref<64x1000000xf32, #tpu.memory_space<hbm>> -> memref<8x384xf32, #tpu.memory_space<hbm>>
    %dma_wait3A_108 = arith.constant 0 : i32
    %dma_wait3A_109 = arith.constant 0 : i32
    %dma_wait3A_110 = tpu.memref_slice %arg6[%dma_wait3A_108, %dma_wait3A_109] : memref<8x1920xf32, #tpu.memory_space<vmem>> -> memref<8x384xf32, #tpu.memory_space<vmem>>
    tpu.wait_dma2 semaphore(%arg10 : memref<!tpu.dma_semaphore, #tpu.memory_space<semaphore_mem>>) src(%dma_wait3A_110 : memref<8x384xf32, #tpu.memory_space<vmem>>) dst(%dma_wait3A_107 : memref<8x384xf32, #tpu.memory_space<hbm>>)
    return
  }
}

</mosaic_0001>

<sc_bundles>
// kernel: kernel.3.cloned.1.call-start
scs
__scs_entry_jumppad:
0x0: {  	(pc) =	sbr.rel $0x88, $3  }
0x1: {  	(tag) =	ssettag $0x0;
	lr =	simm.s32 $0x1  }
0x2: {  	[smem:$0x3FA0] =	sst lr;
	_ =	strace $0xD0000000  }
0x3: {  	_ = 	snop  }
0x4: {  	_ = 	snop  }
0x5: {  	_ = 	snop  }
0x6: {  	_ = 	snop  }
0x7: {  	_ = 	snop  }
__scs_overlays_trampoline_lowered:
0x8: {  	[smem:$0x3FAF] =	sst s0  }
0x9: {  	[smem:$0x3FB0] =	sst s1  }
0xa: {  	[smem:$0x3FB1] =	sst s2  }
0xb: {  	[smem:$0x3FB2] =	sst s3  }
0xc: {  	[smem:$0x3FB3] =	sst s4  }
0xd: {  	[smem:$0x3FB4] =	sst s5  }
0xe: {  	[smem:$0x3FB5] =	sst s6  }
0xf: {  	[smem:$0x3FB6] =	sst s7  }
0x10: {  	[smem:$0x3FB7] =	sst s8  }
0x11: {  	[smem:$0x3FB8] =	sst s9;
	s0 =	simm.s32 @!p0 $0x0  }
0x12: {  	s1 =	sld [smem:$0x3F9E];
	s0 =	simm.s32 @p0 $0x1  }
0x13: {  	[smem:$0x3FB9] =	sst s0;
	s0 =	simm.s32 @!p1 $0x0  }
0x14: {  	s2 =	sld [smem:$0x3F9D];
	s0 =	simm.s32 @p1 $0x1  }
0x15: {  	[smem:$0x3FBA] =	sst s0;
	s0 =	simm.s32 @!p2 $0x0  }
0x16: {  	s3 =	sld [smem:$0x3FDB];
	s0 =	simm.s32 @p2 $0x1  }
0x17: {  	s4 =	simm.s32 $0x1BF5;
	[smem:$0x3FBC] =	sst s0  }
0x18: {  	s0 =	sld [smem:$0x3F9F];
	_ =	swait.ge [sflag:s4], $0x0  }
0x19: {  	s7 =	sld [smem:$0x3FA0]  }
0x1a: {  	s8 =	sadd.s32 $0xFFFFE003, lr  }
0x1b: {  	s9 =	sadd.s32 $0xFFFFFEF7, lr;
	s5 =	simm.s32 $0xFFFFFFFF;
	p2 =	slt.u32 s8, $0xFFFFF086  }
0x1c: {  	p1 =	slt.u32 s9, $0xF7A;
	s5 =	simm.s32 @!p2 $0x0  }
0x1d: {  	s5 =	simm.s32 @p1 $0x1;
	p0 =	seq.s32 s7, s2  }
0x1e: {  	s7 =	smul.u32 @!p0 $0xF7A, s2;
	p2 =	seq.s32 @!p0 s5, $0x0  }
0x1f: {  	s9 =	smul.u32 $0xF7A, s1;
	s8 =	simm.s32 @!p0 $0x1BF5;
	p2 =	por !p2, p0  }
0x20: {  	[sflag:s8] =	ssyncset.s32 @!p0 $0xFFFFF086;
	s6 =	sadd.s32 @!p0 s3, s7;
	s7 =	simm.s32 @!p0 $0x108  }
0x21: {  	s3 =	sadd.s32 s3, s9;
	s6 =	sadd.s32 @!p0 $0x88, s6;
	s7 =	simm.s32 @p2 $0x1082  }
0x22: {  	[simem:s7], [sflag:s8] =	dma.local @!p0 [hbm:s6], $0xF7A  }
0x23: {  	s9 =	sor.u32 $0xD0000000, s2;
	s6 =	simm.s32 $0x108;
	_ =	swait.ge @!p0 [sflag:s8], $0x0  }
0x24: {  	s3 =	sadd.s32 $0x88, s3;
	s6 =	simm.s32 @!p1 $0x1082;
	[sflag:s4] =	ssyncset.s32 $0xFFFFF086  }
0x25: {  	[simem:s6], [sflag:s4] =	dma.local [hbm:s3], $0xF7A  }
0x26: {  	[smem:$0x3FA0] =	sst s1;
	(tag) =	ssettag s2;
	_ =	strace s9  }
0x27: {  	s1 =	sld [smem:$0x3FB0]  }
0x28: {  	s2 =	sld [smem:$0x3FB1]  }
0x29: {  	s4 =	sld [smem:$0x3FB3]  }
0x2a: {  	p0 =	seq.s32 s5, $0x0;
	s5 =	sld [smem:$0x3FB4]  }
0x2b: {  	s6 =	sld [smem:$0x3FB5]  }
0x2c: {  	s7 =	sld [smem:$0x3FB6]  }
0x2d: {  	s3 =	simm.s32 $0x108;
	s8 =	sld [smem:$0x3FB7]  }
0x2e: {  	s3 =	simm.s32 @!p0 $0x1082;
	s9 =	sld [smem:$0x3FB8]  }
0x2f: {  	lr =	sadd.s32 s0, s3;
	s0 =	sld [smem:$0x3FAF]  }
0x30: {  	s3 =	sld [smem:$0x3FB2]  }
0x31: {  	[smem:$0x3FBB] =	sst s10  }
0x32: {  	s10 =	sld [smem:$0x3FB9];
	_ =	sdelay $0x3  }
0x33: {  	p0 =	seq.s32 s10, $0x1;
	s10 =	sld [smem:$0x3FBB];
	_ =	sdelay $0x3  }
0x34: {  	[smem:$0x3FBB] =	sst s10  }
0x35: {  	s10 =	sld [smem:$0x3FBA];
	_ =	sdelay $0x3  }
0x36: {  	p1 =	seq.s32 s10, $0x1;
	s10 =	sld [smem:$0x3FBB];
	_ =	sdelay $0x3  }
0x37: {  	[smem:$0x3FBB] =	sst s10  }
0x38: {  	s10 =	sld [smem:$0x3FBC]  }
0x39: {  	_ = 	snop;
	(pc) =	sbr.ind lr, $3  }
0x3a: {  	_ = 	snop  }
0x3b: {  	_ = 	snop  }
0x3c: {  	p2 =	seq.s32 s10, $0x1;
	s10 =	sld [smem:$0x3FBB]  }
0x3d: {  	_ =	shalt  }
0x3e: {  	_ =	shalt  }
0x3f: {  	_ =	shalt  }
0x40: {  	_ =	shalt  }
0x41: {  	_ =	shalt  }
0x42: {  	_ =	shalt  }
0x43: {  	_ =	shalt  }
0x44: {  	_ =	shalt  }
0x45: {  	_ =	shalt  }
0x46: {  	_ =	shalt  }
0x47: {  	_ =	shalt  }
0x48: {  	_ =	shalt  }
0x49: {  	_ =	shalt  }
0x4a: {  	_ =	shalt  }
0x4b: {  	_ =	shalt  }
0x4c: {  	_ =	shalt  }
0x4d: {  	_ =	shalt  }
0x4e: {  	_ =	shalt  }
0x4f: {  	_ =	shalt  }
0x50: {  	_ =	shalt  }
0x51: {  	_ =	shalt  }
0x52: {  	_ =	shalt  }
0x53: {  	_ =	shalt  }
0x54: {  	_ =	shalt  }
0x55: {  	_ =	shalt  }
0x56: {  	_ =	shalt  }
0x57: {  	_ =	shalt  }
0x58: {  	_ =	shalt  }
0x59: {  	_ =	shalt  }
0x5a: {  	_ =	shalt  }
0x5b: {  	_ =	shalt  }
0x5c: {  	_ =	shalt  }
0x5d: {  	_ =	shalt  }
0x5e: {  	_ =	shalt  }
0x5f: {  	_ =	shalt  }
0x60: {  	_ =	shalt  }
0x61: {  	_ =	shalt  }
0x62: {  	_ =	shalt  }
0x63: {  	_ =	shalt  }
0x64: {  	_ =	shalt  }
0x65: {  	_ =	shalt  }
0x66: {  	_ =	shalt  }
0x67: {  	_ =	shalt  }
0x68: {  	_ =	shalt  }
0x69: {  	_ =	shalt  }
0x6a: {  	_ =	shalt  }
0x6b: {  	_ =	shalt  }
0x6c: {  	_ =	shalt  }
0x6d: {  	_ =	shalt  }
0x6e: {  	_ =	shalt  }
0x6f: {  	_ =	shalt  }
0x70: {  	_ =	shalt  }
0x71: {  	_ =	shalt  }
0x72: {  	_ =	shalt  }
0x73: {  	_ =	shalt  }
0x74: {  	_ =	shalt  }
0x75: {  	_ =	shalt  }
0x76: {  	_ =	shalt  }
0x77: {  	_ =	shalt  }
0x78: {  	_ =	shalt  }
0x79: {  	_ =	shalt  }
0x7a: {  	_ =	shalt  }
0x7b: {  	_ =	shalt  }
0x7c: {  	_ =	shalt  }
0x7d: {  	_ =	shalt  }
0x7e: {  	_ =	shalt  }
0x7f: {  	_ =	shalt  }
0x80: {  	_ =	shalt  }
0x81: {  	_ =	shalt  }
0x82: {  	_ =	shalt  }
0x83: {  	_ =	shalt  }
0x84: {  	_ =	shalt  }
0x85: {  	_ =	shalt  }
0x86: {  	_ =	shalt  }
0x87: {  	_ =	shalt  }
.Lfunc_end0:
.L_simem_size_0:
called_computation_lowered:
.L_overlay_start_0:
0x88: {  	s2 =	sld [smem:$0x3FD9]  }
0x89: {  	s3 =	sld [smem:$0x3FFE];
	_ =	sdelay $0x1  }
0x8a: {  	s1 =	srdreg.scid  }
0x8b: {  	s0 =	sand.u32 $0x1, s1  }
0x8c: {  	s18 =	sshll.u32 s0, $0xA;
	s2 =	sadd.s32 s3, s2  }
0x8d: {  	s2 =	sadd.s32 s2, s18  }
0x8e: {  	[smem:$0x3FC7] =	sst s2  }
0x8f: {  	_ = 	snop  }
0x90: {  	s2 =	sld [smem:$0x3FC9]  }
0x91: {  	s19 =	sld [smem:$0x3FD0];
	(tm) =	ssettm $0x1  }
0x92: {  	s4 =	sld [smem:$0x3FFB];
	_ =	sdelay $0x3  }
0x93: {  	_ =	strace s4  }
0x94: {  	s4 =	sld [smem:$0x3FFC];
	_ =	sdelay $0x3  }
0x95: {  	_ =	strace s4  }
0x96: {  	s4 =	sld [smem:$0x3FFD];
	_ =	sdelay $0x3  }
0x97: {  	_ =	strace s4  }
0x98: {  	_ =	strace $0x8FFFFFFF  }
0x99: {  	s20 =	sld [smem:$0x3FDB];
	_ =	sdelay $0x1  }
0x9a: {  	s5 =	simm.s32 $_scs_section_size  }
0x9b: {  	s6 =	simm.s32 $_size__tile_overlayer_lowered;
	s7 =	simm.s32 $_tile_overlayer_lowered  }
0x9c: {  	s23 =	simm.s32 $0x1BFF;
	s22 =	sshll.u32 s7, $0x1;
	s4 =	sadd.s32 s5, s20  }
0x9d: {  	s8 =	simm.s32 $0x0;
	s21 =	sshll.u32 s6, $0x1;
	s6 =	sadd.s32 s22, s4  }
0x9e: {  	[timem:s8], [sflag:s23] =	dma.local [hbm:s6], s21  }
0x9f: {  	_ =	swait.ge [sflag:s23], s21  }
0xa0: {  	s5 =	ssub.s32 $0x0, s21;
	[sflag:s23] =	ssyncset.done $0x0  }
0xa1: {  	[sflag:s23] =	ssyncadd.s32 s5;
	_ =	sdelay $0x1  }
0xa2: {  	s24 =	simm.s32 $0x1B8B  }
0xa3: {  	_ =	swait.ge [sflag:s24], $0x1  }
0xa4: {  	[sflag:s24] =	ssyncset.done $0x0  }
0xa5: {  	s25 =	simm.s32 $0x1B8E;
	[sflag:s24] =	ssyncadd.s32 $0xFFFFFFFF  }
0xa6: {  	s26 =	simm.s32 $execute0_lowered;
	[smem:$0x3FD2] =	sst s25  }
0xa7: {  	s5 =	sshll.u32 s26, $0x1;
	_ =	strace $0x80000046;
	[dreg:$0x1] =	wrdreg $0xFFFFFFFF  }
0xa8: {  	s28 =	simm.s32 $_size_execute0_lowered;
	s4 =	sadd.s32 s4, s5;
	[dreg:$0x0] =	wrdreg $0x0  }
0xa9: {  	s5 =	sshll.u32 s28, $0x1;
	[dreg:$0x2] =	wrdreg s4  }
0xaa: {  	[dreg:$0x3] =	wrdreg s5  }
0xab: {  	[dreg:$0x4] =	wrdreg $0xC0  }
0xac: {  	_ =	task [dreg:s8], $0x5FFFF  }
0xad: {  	[dreg:$0x1] =	wrdreg $0xFFFFFFFF  }
0xae: {  	[dreg:$0x0] =	wrdreg $0x60  }
0xaf: {  	[dreg:$0x2] =	wrdreg s2  }
0xb0: {  	[dreg:$0x3] =	wrdreg s19  }
0xb1: {  	[dreg:$0x4] =	wrdreg $0x9  }
0xb2: {  	_ =	task.clear_ibuf [dreg:s8], $0x5FFFF;
	_ =	strace $0x90000046  }
0xb3: {  	s29 =	simm.s32 $0x9;
	_ =	strace $0x80000048  }
0xb4: {  	_ =	swait.ge [sflag:s29], $0x1  }
0xb5: {  	[sflag:s29] =	ssyncadd.s32 $0xFFFFFFFF  }
0xb6: {  	_ =	strace $0x90000048  }
0xb7: {  	_ =	sfence  }
0xb8: {  	s30 =	sld [smem:$0x0];
	_ =	sdelay $0x2  }
0xb9: {  	s31 =	sshll.u32 s1, $0xD;
	s1 =	sshrl.u32 s1, $0x2  }
0xba: {  	s3 =	sand.u32 $0x4000, s31;
	s1 =	sadd.s32 s1, s30  }
0xbb: {  	s0 =	sor.u32 s3, s0;
	s1 =	sshll.u32 s1, $0x11  }
0xbc: {  	s0 =	sor.u32 s1, s0  }
0xbd: {  	s0 =	sadd.s32 $0x8F2B, s0  }
0xbe: {  	[sflag:s0] =	ssyncadd.remote.s32 $0x1  }
0xbf: {  	_ =	sfence.sel $0xFFFF  }
0xc0: {  	[dreg:$0x0] =	wrdreg $0xFFFFFFFF;
	(pc) =	sbr.abs _section_cstart, $3  }
0xc1: {  	[dreg:$0x1] =	wrdreg $0xFFFFFFFF  }
0xc2: {  	_ =	task.clear_ibuf [dreg:s8], $0x2FFFF;
	_ =	strace $0x9FFFFFFF  }
0xc3: {  	(tm) =	ssettm $0x7FFFFFFF  }
tec
execute0_lowered:
.L_overlay_start_1:
0x0: {  	(tag) =	ssettag $0x1  }
0x1: {  	s2 =	stileid.u32  }
0x2: {  	s0 =	srdreg.scid;
	s1 =	sshll.u32 s2, $0x1  }
0x3: {  	s0 =	sand.u32 $0x1, s0;
	s2 =	sshrl.u32 s2, $0x1;
	s1 =	sand.u32 $0x2, s1  }
0x4: {  	s5 =	rddreg [dreg:$0x0];
	s4 =	smul.u32 $0x7A1400, s2;
	s1 =	sor.u32 s0, s1  }
0x5: {  	s7 =	rddreg [dreg:$0x1];
	s16 =	simm.s32 $0x0;
	s25 =	smul.u32 $0x1E7800, s1  }
0x6: {  	[smem:$0x7FF] =	sst s16;
	s0 =	ssub.s32 $0x2, s0;
	s8 =	smul.u32 $0x82, s1  }
0x7: {  	_ =	strace $0x80000047;
	s3 =	smul.u32 $0xC00, s1;
	s6 =	sshrl.u32 s0, $0x1  }
0x8: {  	s0 =	ssub.s32 s0, s6;
	s28 =	sadd.s32 $0x2, s8;
	[dreg:$0x4] =	wrdreg s8  }
0x9: {  	s2 =	sadd.s32 s4, s25;
	s29 =	sor.u32 $0x1, s8;
	[dreg:$0x6] =	wrdreg s28  }
0xa: {  	s26 =	sadd.s32 s3, s4;
	s30 =	sadd.s32 $0x3, s8;
	[dreg:$0x7] =	wrdreg s29  }
0xb: {  	s0 =	smax.u32 s0, $0x1;
	s2 =	sshrl.u32 s2, $0x3;
	[dreg:$0x8] =	wrdreg s30  }
0xc: {  	s1 =	sshrl.u32 s26, $0x3;
	[dreg:$0xb] =	wrdreg s0;
	s2 =	sadd.s32 s5, s2  }
0xd: {  	s1 =	sadd.s32 $0xF3C00, s1;
	[dreg:$0x3] =	wrdreg s2;
	s2 =	sadd.s32 $0x780, s2  }
0xe: {  	s31 =	sadd.s32 s5, s1;
	[dreg:$0x5] =	wrdreg s2  }
0xf: {  	s1 =	sadd.s32 s7, s1;
	[dreg:$0x9] =	wrdreg s31  }
0x10: {  	[dreg:$0xa] =	wrdreg s1;
	s2 =	simm.s32 $0x0  }
.LBB2_1:
0x11: {  	[dreg:$0xc] =	wrdreg s2  }
0x12: {  	s0 =	rddreg [dreg:$0x3]  }
0x13: {  	[tilespmem:s16], [sflag:$0x1] =	stream.linear.gather [hbm4b:s0+s16], $0x3C00, $0x38;
	[tilespmem:$0xF000] =	vst v63  }
0x14: {  	s31 =	rddreg [dreg:$0x5];
	s1 =	simm.s32 $0x3C00;
	s23 =	simm.s32 $0x0  }
0x15: {  	[tilespmem:s1], [sflag:$0x2] =	stream.linear.gather [hbm4b:s31+s16], $0x3C00, $0x38;
	[tilespmem:$0xF000] =	vst v63  }
.LBB2_2:
0x16: {  	s0 =	simm.s32 $0x1  }
0x17: {  	_ =	swait.ge [sflag:s0], $0x3C00  }
0x18: {  	p0 =	seq.s32 s23, $0x0;
	[sflag:s0] =	ssyncset.done $0x0  }
0x19: {  	[sflag:s0] =	ssyncadd.s32 $0xFFFFC400;
	s0 =	simm.s32 @!p0 $0x3  }
0x1a: {  	s1 =	simm.s32 $0x0;
	_ =	swait.ge @!p0 [sflag:s0], $0x3C00  }
0x1b: {  	s2 =	sand.u32 $0x40, s1;
	s1 =	sand.u32 $0x3C00, s1;
	[sflag:s0] =	ssyncset.done @!p0 $0x0  }
0x1c: {  	s1 =	sor.u32 s2, s1;
	[sflag:s0] =	ssyncadd.s32 @!p0 $0xFFFFC400  }
0x1d: {  	v0 =	vld [tilespmem:s1+$0x30]  }
0x1e: {  	v1 =	vld [tilespmem:s1+$0xB0]  }
0x1f: {  	v2 =	vld [tilespmem:s1+$0x130]  }
0x20: {  	v3 =	vld [tilespmem:s1+$0x1B0]  }
0x21: {  	v4 =	vld [tilespmem:s1+$0x0]  }
0x22: {  	p1 =	por $0x0, $0x0;
	s0 =	simm.s32 $0x1;
	v5 =	vld [tilespmem:s1+$0x80];
	v0 =	vmul.f32 $1.000000000e+01, v0  }
0x23: {  	s0 =	simm.s32 @!p1 $0x0;
	v6 =	vld [tilespmem:s1+$0x100];
	v1 =	vmul.f32 $1.000000000e+01, v1  }
0x24: {  	s0 =	sshll.u32 s0, $0x6;
	[tilespmem:s1+$0x7830] =	vst v0;
	v0 =	vmul.f32 $1.000000000e+01, v2;
	v2 =	vld [tilespmem:s1+$0x180]  }
0x25: {  	s2 =	sadd.s32 $0x0, s0;
	[tilespmem:s1+$0x78B0] =	vst v1;
	v1 =	vmul.f32 $1.000000000e+01, v3;
	v3 =	vld [tilespmem:s1+$0x10]  }
0x26: {  	s13 =	sadd.s32 $0x30, s2;
	[tilespmem:s1+$0x7930] =	vst v0;
	v0 =	vmul.f32 $1.000000000e+01, v4;
	v4 =	vld [tilespmem:s1+$0x90]  }
0x27: {  	s22 =	sor.u32 $0x200, s13;
	[tilespmem:s1+$0x79B0] =	vst v1;
	v1 =	vmul.f32 $1.000000000e+01, v5;
	v5 =	vld [tilespmem:s1+$0x110]  }
0x28: {  	[tilespmem:s1+$0x7800] =	vst v0;
	v0 =	vmul.f32 $1.000000000e+01, v6;
	v6 =	vld [tilespmem:s22+$0x0]  }
0x29: {  	[tilespmem:s1+$0x7880] =	vst v1;
	v1 =	vmul.f32 $1.000000000e+01, v2;
	v2 =	vld [tilespmem:s1+$0x190]  }
0x2a: {  	[tilespmem:s1+$0x7900] =	vst v0;
	v0 =	vmul.f32 $1.000000000e+01, v3  }
0x2b: {  	v3 =	vld [tilespmem:s1+$0x20];
	[tilespmem:s1+$0x7980] =	vst v1;
	v1 =	vmul.f32 $1.000000000e+01, v4  }
0x2c: {  	v4 =	vld [tilespmem:s1+$0xA0];
	[tilespmem:s1+$0x7810] =	vst v0;
	v0 =	vmul.f32 $1.000000000e+01, v5  }
0x2d: {  	v5 =	vld [tilespmem:s1+$0x120];
	[tilespmem:s1+$0x7890] =	vst v1;
	v1 =	vmul.f32 $1.000000000e+01, v6  }
0x2e: {  	s3 =	sor.u32 $0x200, s2;
	v6 =	vld [tilespmem:s1+$0x1A0];
	[tilespmem:s1+$0x7910] =	vst v0;
	v0 =	vmul.f32 $1.000000000e+01, v2  }
0x2f: {  	s12 =	sadd.s32 $0x10, s2;
	s6 =	sor.u32 $0x280, s13;
	v2 =	vld [tilespmem:s3+$0x0];
	[tilespmem:s22+$0x7800] =	vst v1  }
0x30: {  	s7 =	sor.u32 $0x200, s12;
	v1 =	vmul.f32 $1.000000000e+01, v3;
	[tilespmem:s1+$0x7990] =	vst v0;
	v0 =	vld [tilespmem:s6+$0x0]  }
0x31: {  	v3 =	vmul.f32 $1.000000000e+01, v4;
	v4 =	vld [tilespmem:s7+$0x0]  }
0x32: {  	[tilespmem:s1+$0x7820] =	vst v1;
	v1 =	vmul.f32 $1.000000000e+01, v5  }
0x33: {  	[tilespmem:s1+$0x78A0] =	vst v3;
	v3 =	vmul.f32 $1.000000000e+01, v6  }
0x34: {  	s0 =	sadd.s32 $0x20, s2;
	v2 =	vmul.f32 $1.000000000e+01, v2;
	[tilespmem:s1+$0x7920] =	vst v1  }
0x35: {  	s8 =	sor.u32 $0x200, s0;
	[tilespmem:s1+$0x79A0] =	vst v3;
	v0 =	vmul.f32 $1.000000000e+01, v0  }
0x36: {  	s24 =	sor.u32 $0x280, s2;
	[tilespmem:s3+$0x7800] =	vst v2;
	v1 =	vld [tilespmem:s8+$0x0];
	v2 =	vmul.f32 $1.000000000e+01, v4  }
0x37: {  	s26 =	simm.s32 $0x200;
	s9 =	simm.s32 $0x40;
	s25 =	sor.u32 $0x300, s13;
	v3 =	vld [tilespmem:s24+$0x0];
	[tilespmem:s6+$0x7800] =	vst v0  }
0x38: {  	s5 =	sand.u32 $0x40, s9;
	s10 =	sor.u32 $0x280, s12;
	s3 =	sand.u32 $0x3C00, s26;
	[tilespmem:s7+$0x7800] =	vst v2;
	v0 =	vld [tilespmem:s25+$0x0]  }
0x39: {  	s3 =	sor.u32 s5, s3;
	v2 =	vld [tilespmem:s10+$0x0]  }
0x3a: {  	v4 =	vld [tilespmem:s3+$0x30]  }
0x3b: {  	v5 =	vld [tilespmem:s3+$0xB0];
	v1 =	vmul.f32 $1.000000000e+01, v1  }
0x3c: {  	v6 =	vld [tilespmem:s3+$0x130];
	v3 =	vmul.f32 $1.000000000e+01, v3  }
0x3d: {  	[tilespmem:s8+$0x7800] =	vst v1;
	v1 =	vld [tilespmem:s3+$0x1B0];
	v0 =	vmul.f32 $1.000000000e+01, v0  }
0x3e: {  	[tilespmem:s24+$0x7800] =	vst v3;
	v3 =	vld [tilespmem:s3+$0x0];
	v2 =	vmul.f32 $1.000000000e+01, v2  }
0x3f: {  	p1 =	por !p1, !p1;
	s1 =	simm.s32 $0x1;
	[tilespmem:s25+$0x7800] =	vst v0;
	v0 =	vmul.f32 $1.000000000e+01, v4;
	v4 =	vld [tilespmem:s3+$0x80]  }
0x40: {  	s1 =	simm.s32 @!p1 $0x0;
	[tilespmem:s10+$0x7800] =	vst v2;
	v2 =	vmul.f32 $1.000000000e+01, v5;
	v5 =	vld [tilespmem:s3+$0x100]  }
0x41: {  	s1 =	sshll.u32 s1, $0x6;
	[tilespmem:s3+$0x7830] =	vst v0;
	v0 =	vmul.f32 $1.000000000e+01, v6;
	v6 =	vld [tilespmem:s3+$0x180]  }
0x42: {  	s8 =	sadd.s32 $0x200, s1;
	v1 =	vmul.f32 $1.000000000e+01, v1;
	[tilespmem:s3+$0x78B0] =	vst v2;
	v2 =	vld [tilespmem:s3+$0x10]  }
0x43: {  	s1 =	sadd.s32 $0x30, s8;
	[tilespmem:s3+$0x7930] =	vst v0;
	v0 =	vmul.f32 $1.000000000e+01, v3;
	v3 =	vld [tilespmem:s3+$0x90]  }
0x44: {  	s9 =	sor.u32 $0x200, s1;
	[tilespmem:s3+$0x79B0] =	vst v1;
	v1 =	vmul.f32 $1.000000000e+01, v4;
	v4 =	vld [tilespmem:s3+$0x110]  }
0x45: {  	[tilespmem:s3+$0x7800] =	vst v0;
	v0 =	vmul.f32 $1.000000000e+01, v5;
	v5 =	vld [tilespmem:s9+$0x0]  }
0x46: {  	[tilespmem:s3+$0x7880] =	vst v1;
	v1 =	vmul.f32 $1.000000000e+01, v6;
	v6 =	vld [tilespmem:s3+$0x190]  }
0x47: {  	[tilespmem:s3+$0x7900] =	vst v0;
	v0 =	vmul.f32 $1.000000000e+01, v2;
	v2 =	vld [tilespmem:s3+$0x20]  }
0x48: {  	[tilespmem:s3+$0x7980] =	vst v1;
	v1 =	vmul.f32 $1.000000000e+01, v3;
	v3 =	vld [tilespmem:s3+$0xA0]  }
0x49: {  	[tilespmem:s3+$0x7810] =	vst v0;
	v0 =	vmul.f32 $1.000000000e+01, v4;
	v4 =	vld [tilespmem:s3+$0x120]  }
0x4a: {  	s10 =	sor.u32 $0x200, s8;
	[tilespmem:s3+$0x7890] =	vst v1;
	v1 =	vld [tilespmem:s3+$0x1A0];
	v5 =	vmul.f32 $1.000000000e+01, v5  }
0x4b: {  	s18 =	sor.u32 $0x280, s0;
	v7 =	vld [tilespmem:s10+$0x0];
	[tilespmem:s3+$0x7910] =	vst v0;
	v0 =	vmul.f32 $1.000000000e+01, v6  }
0x4c: {  	s6 =	sadd.s32 $0x10, s8;
	s21 =	sor.u32 $0x280, s1;
	v2 =	vmul.f32 $1.000000000e+01, v2;
	[tilespmem:s9+$0x7800] =	vst v5;
	v5 =	vld [tilespmem:s18+$0x0]  }
0x4d: {  	s11 =	sor.u32 $0x200, s6;
	[tilespmem:s3+$0x7990] =	vst v0;
	v0 =	vmul.f32 $1.000000000e+01, v3;
	v3 =	vld [tilespmem:s21+$0x0]  }
0x4e: {  	s14 =	sor.u32 $0x300, s2;
	v6 =	vld [tilespmem:s11+$0x0];
	[tilespmem:s3+$0x7820] =	vst v2;
	v2 =	vmul.f32 $1.000000000e+01, v4  }
0x4f: {  	s15 =	sor.u32 $0x300, s12;
	[tilespmem:s3+$0x78A0] =	vst v0;
	v0 =	vmul.f32 $1.000000000e+01, v1;
	v1 =	vld [tilespmem:s14+$0x0]  }
0x50: {  	s17 =	sor.u32 $0x380, s13;
	s13 =	sadd.s32 $0x20, s8;
	v4 =	vmul.f32 $1.000000000e+01, v7;
	[tilespmem:s3+$0x7920] =	vst v2;
	v2 =	vld [tilespmem:s15+$0x0]  }
0x51: {  	s19 =	sor.u32 $0x200, s13;
	v7 =	vld [tilespmem:s17+$0x0];
	[tilespmem:s3+$0x79A0] =	vst v0;
	v0 =	vmul.f32 $1.000000000e+01, v5  }
0x52: {  	s20 =	sor.u32 $0x280, s8;
	[tilespmem:s10+$0x7800] =	vst v4;
	v4 =	vld [tilespmem:s19+$0x0];
	v3 =	vmul.f32 $1.000000000e+01, v3  }
0x53: {  	s22 =	sor.u32 $0x300, s0;
	v5 =	vld [tilespmem:s20+$0x0];
	v6 =	vmul.f32 $1.000000000e+01, v6;
	[tilespmem:s18+$0x7800] =	vst v0  }
0x54: {  	s24 =	sor.u32 $0x300, s1;
	[tilespmem:s21+$0x7800] =	vst v3;
	v0 =	vmul.f32 $1.000000000e+01, v1;
	v1 =	vld [tilespmem:s22+$0x0]  }
0x55: {  	s26 =	simm.s32 $0x400;
	s5 =	simm.s32 $0x80;
	s25 =	sor.u32 $0x280, s6;
	[tilespmem:s11+$0x7800] =	vst v6;
	v3 =	vld [tilespmem:s24+$0x0];
	v2 =	vmul.f32 $1.000000000e+01, v2  }
0x56: {  	s2 =	sor.u32 $0x380, s2;
	s3 =	sand.u32 $0x3C00, s26;
	v6 =	vmul.f32 $1.000000000e+01, v7;
	s11 =	sand.u32 $0x40, s5;
	v7 =	vld [tilespmem:s25+$0x0];
	[tilespmem:s14+$0x7800] =	vst v0  }
0x57: {  	s3 =	sor.u32 s11, s3;
	v0 =	vmul.f32 $1.000000000e+01, v4;
	v4 =	vld [tilespmem:s2+$0x0];
	[tilespmem:s15+$0x7800] =	vst v2  }
0x58: {  	s12 =	sor.u32 $0x380, s12;
	[tilespmem:s17+$0x7800] =	vst v6;
	v2 =	vmul.f32 $1.000000000e+01, v5;
	v6 =	vld [tilespmem:s3+$0x30]  }
0x59: {  	v5 =	vld [tilespmem:s12+$0x0];
	[tilespmem:s19+$0x7800] =	vst v0;
	v0 =	vmul.f32 $1.000000000e+01, v1  }
0x5a: {  	v1 =	vld [tilespmem:s3+$0xB0];
	[tilespmem:s20+$0x7800] =	vst v2;
	v2 =	vmul.f32 $1.000000000e+01, v3  }
0x5b: {  	v3 =	vld [tilespmem:s3+$0x130];
	v7 =	vmul.f32 $1.000000000e+01, v7;
	[tilespmem:s22+$0x7800] =	vst v0  }
0x5c: {  	s9 =	sor.u32 $0x380, s1;
	v0 =	vld [tilespmem:s3+$0x1B0];
	[tilespmem:s24+$0x7800] =	vst v2;
	v2 =	vmul.f32 $1.000000000e+01, v4  }
0x5d: {  	v6 =	vmul.f32 $1.000000000e+01, v6;
	[tilespmem:s25+$0x7800] =	vst v7;
	v4 =	vld [tilespmem:s9+$0x0]  }
0x5e: {  	v5 =	vmul.f32 $1.000000000e+01, v5;
	v7 =	vld [tilespmem:s3+$0x0];
	[tilespmem:s2+$0x7800] =	vst v2  }
0x5f: {  	p1 =	por !p1, !p1;
	s1 =	simm.s32 $0x1;
	v2 =	vld [tilespmem:s3+$0x80];
	v1 =	vmul.f32 $1.000000000e+01, v1;
	[tilespmem:s3+$0x7830] =	vst v6  }
0x60: {  	s1 =	simm.s32 @!p1 $0x0;
	[tilespmem:s12+$0x7800] =	vst v5;
	v5 =	vld [tilespmem:s3+$0x100];
	v3 =	vmul.f32 $1.000000000e+01, v3  }
0x61: {  	s1 =	sshll.u32 s1, $0x6;
	v6 =	vld [tilespmem:s3+$0x180];
	[tilespmem:s3+$0x78B0] =	vst v1;
	v0 =	vmul.f32 $1.000000000e+01, v0  }
0x62: {  	s1 =	sadd.s32 $0x400, s1;
	v1 =	vld [tilespmem:s3+$0x10];
	[tilespmem:s3+$0x7930] =	vst v3;
	v3 =	vmul.f32 $1.000000000e+01, v4  }
0x63: {  	s30 =	sadd.s32 $0x30, s1;
	v4 =	vmul.f32 $1.000000000e+01, v7;
	v7 =	vld [tilespmem:s3+$0x90];
	[tilespmem:s3+$0x79B0] =	vst v0  }
0x64: {  	s11 =	sor.u32 $0x200, s30;
	v0 =	vmul.f32 $1.000000000e+01, v2;
	v2 =	vld [tilespmem:s3+$0x110];
	[tilespmem:s9+$0x7800] =	vst v3  }
0x65: {  	[tilespmem:s3+$0x7800] =	vst v4;
	v3 =	vmul.f32 $1.000000000e+01, v5;
	v4 =	vld [tilespmem:s11+$0x0]  }
0x66: {  	v5 =	vld [tilespmem:s3+$0x190];
	[tilespmem:s3+$0x7880] =	vst v0;
	v0 =	vmul.f32 $1.000000000e+01, v6  }
0x67: {  	v1 =	vmul.f32 $1.000000000e+01, v1;
	[tilespmem:s3+$0x7900] =	vst v3;
	v3 =	vld [tilespmem:s3+$0x20]  }
0x68: {  	v6 =	vld [tilespmem:s3+$0xA0];
	[tilespmem:s3+$0x7980] =	vst v0;
	v0 =	vmul.f32 $1.000000000e+01, v7  }
0x69: {  	[tilespmem:s3+$0x7810] =	vst v1;
	v1 =	vmul.f32 $1.000000000e+01, v2;
	v2 =	vld [tilespmem:s3+$0x120]  }
0x6a: {  	s12 =	sor.u32 $0x200, s1;
	[tilespmem:s3+$0x7890] =	vst v0;
	v0 =	vld [tilespmem:s3+$0x1A0];
	v4 =	vmul.f32 $1.000000000e+01, v4  }
0x6b: {  	s14 =	sor.u32 $0x280, s13;
	v7 =	vld [tilespmem:s12+$0x0];
	[tilespmem:s3+$0x7910] =	vst v1;
	v1 =	vmul.f32 $1.000000000e+01, v5  }
0x6c: {  	s10 =	sadd.s32 $0x10, s1;
	s17 =	sor.u32 $0x280, s30;
	v3 =	vmul.f32 $1.000000000e+01, v3;
	[tilespmem:s11+$0x7800] =	vst v4;
	v4 =	vld [tilespmem:s14+$0x0]  }
0x6d: {  	s20 =	sor.u32 $0x200, s10;
	[tilespmem:s3+$0x7990] =	vst v1;
	v1 =	vmul.f32 $1.000000000e+01, v6;
	v5 =	vld [tilespmem:s17+$0x0]  }
0x6e: {  	s21 =	sor.u32 $0x300, s8;
	v6 =	vld [tilespmem:s20+$0x0];
	[tilespmem:s3+$0x7820] =	vst v3;
	v2 =	vmul.f32 $1.000000000e+01, v2  }
0x6f: {  	s31 =	sor.u32 $0x380, s8;
	s28 =	sor.u32 $0x380, s6;
	s2 =	sor.u32 $0x300, s6;
	v3 =	vld [tilespmem:s21+$0x0];
	[tilespmem:s3+$0x78A0] =	vst v1;
	v0 =	vmul.f32 $1.000000000e+01, v0  }
0x70: {  	s26 =	sor.u32 $0x380, s0;
	s18 =	sadd.s32 $0x20, s1;
	v1 =	vmul.f32 $1.000000000e+01, v7;
	v7 =	vld [tilespmem:s2+$0x0];
	s5 =	rddreg [dreg:$0x4];
	[tilespmem:s3+$0x7920] =	vst v2  }
0x71: {  	s29 =	sor.u32 $0x380, s13;
	s0 =	sor.u32 $0x300, s13;
	s19 =	sor.u32 $0x200, s18;
	[tilespmem:s3+$0x79A0] =	vst v0;
	v0 =	vmul.f32 $1.000000000e+01, v4;
	v4 =	vld [tilespmem:s26+$0x0]  }
0x72: {  	s7 =	sor.u32 $0x300, s30;
	s8 =	sor.u32 $0x300, s1;
	s11 =	sor.u32 $0x280, s1;
	[tilespmem:s12+$0x7800] =	vst v1;
	v2 =	vld [tilespmem:s19+$0x0];
	v5 =	vmul.f32 $1.000000000e+01, v5  }
0x73: {  	s13 =	simm.s32 $0x8;
	s15 =	sor.u32 $0x280, s10;
	s24 =	sshll.u32 s23, $0x1;
	v1 =	vld [tilespmem:s11+$0x0];
	v6 =	vmul.f32 $1.000000000e+01, v6;
	[tilespmem:s14+$0x7800] =	vst v0  }
0x74: {  	s22 =	sor.u32 $0x300, s18;
	s6 =	simm.s32 $0x600;
	s25 =	sadd.s32 s5, s24;
	v8 =	vmul.f32 $1.000000000e+01, v3;
	[tilespmem:s17+$0x7800] =	vst v5;
	v0 =	vld [tilespmem:s0+$0x0]  }
0x75: {  	s12 =	sor.u32 $0x280, s18;
	s3 =	sor.u32 $0x300, s10;
	s14 =	sor.u32 $0x380, s10;
	[tilespmem:s20+$0x7800] =	vst v6;
	v3 =	vld [tilespmem:s7+$0x0];
	v6 =	vmul.f32 $1.000000000e+01, v7  }
0x76: {  	s17 =	sor.u32 $0x380, s18;
	s20 =	sor.u32 $0x380, s1;
	[tilespmem:s21+$0x7800] =	vst v8;
	s21 =	simm.s32 $0xC0;
	v5 =	vld [tilespmem:s15+$0x0];
	v4 =	vmul.f32 $1.000000000e+01, v4  }
.LBB2_3:
0x77: {  	s1 =	sand.u32 $0x40, s21;
	s9 =	sand.u32 $0x3C00, s6;
	v2 =	vmul.f32 $1.000000000e+01, v2;
	v7 =	vld [tilespmem:s31+$0x0];
	[tilespmem:s2+$0x7800] =	vst v6;
	s2 =	smov.u32 s3  }
0x78: {  	s1 =	sor.u32 s1, s9;
	v1 =	vmul.f32 $1.000000000e+01, v1;
	v6 =	vld [tilespmem:s28+$0x0];
	[tilespmem:s26+$0x7800] =	vst v4;
	s26 =	smov.u32 s29;
	s29 =	smov.u32 s17  }
0x79: {  	v4 =	vld [tilespmem:s1+$0x30];
	[tilespmem:s19+$0x7800] =	vst v2;
	v0 =	vmul.f32 $1.000000000e+01, v0  }
0x7a: {  	v2 =	vld [tilespmem:s1+$0xB0];
	[tilespmem:s11+$0x7800] =	vst v1;
	v1 =	vmul.f32 $1.000000000e+01, v3  }
0x7b: {  	s13 =	sadd.s32 $0x4, s13;
	v3 =	vld [tilespmem:s1+$0x130];
	v5 =	vmul.f32 $1.000000000e+01, v5;
	[tilespmem:s0+$0x7800] =	vst v0;
	s0 =	smov.u32 s22  }
0x7c: {  	s3 =	sor.u32 $0x380, s30;
	p2 =	slt.u32 s13, $0x74;
	v0 =	vld [tilespmem:s1+$0x1B0];
	[tilespmem:s7+$0x7800] =	vst v1;
	v1 =	vmul.f32 $1.000000000e+01, v7  }
0x7d: {  	[tilespmem:s15+$0x7800] =	vst v5;
	v5 =	vld [tilespmem:s3+$0x0];
	v6 =	vmul.f32 $1.000000000e+01, v6  }
0x7e: {  	v7 =	vld [tilespmem:s1+$0x0];
	v4 =	vmul.f32 $1.000000000e+01, v4;
	[tilespmem:s31+$0x7800] =	vst v1;
	s31 =	smov.u32 s20  }
0x7f: {  	p1 =	por !p1, !p1;
	s7 =	simm.s32 $0x1;
	v1 =	vld [tilespmem:s1+$0x80];
	v2 =	vmul.f32 $1.000000000e+01, v2;
	[tilespmem:s28+$0x7800] =	vst v6;
	s28 =	smov.u32 s14  }
0x80: {  	s7 =	simm.s32 @!p1 $0x0;
	v6 =	vld [tilespmem:s1+$0x100];
	[tilespmem:s1+$0x7830] =	vst v4;
	v3 =	vmul.f32 $1.000000000e+01, v3  }
0x81: {  	s7 =	sshll.u32 s7, $0x6;
	v4 =	vld [tilespmem:s1+$0x180];
	[tilespmem:s1+$0x78B0] =	vst v2;
	v0 =	vmul.f32 $1.000000000e+01, v0  }
0x82: {  	s20 =	sadd.s32 s7, s6;
	v2 =	vld [tilespmem:s1+$0x10];
	[tilespmem:s1+$0x7930] =	vst v3;
	v3 =	vmul.f32 $1.000000000e+01, v5  }
0x83: {  	s14 =	sadd.s32 $0x10, s20;
	s17 =	sadd.s32 $0x20, s20;
	s30 =	sadd.s32 $0x30, s20;
	v5 =	vmul.f32 $1.000000000e+01, v7;
	v7 =	vld [tilespmem:s1+$0x90];
	[tilespmem:s1+$0x79B0] =	vst v0  }
0x84: {  	s9 =	sor.u32 $0x200, s14;
	s19 =	sor.u32 $0x200, s17;
	s18 =	sor.u32 $0x200, s30;
	v0 =	vmul.f32 $1.000000000e+01, v1;
	v1 =	vld [tilespmem:s1+$0x110];
	[tilespmem:s3+$0x7800] =	vst v3  }
0x85: {  	s5 =	sor.u32 $0x200, s20;
	s15 =	sor.u32 $0x280, s14;
	s7 =	sor.u32 $0x280, s17;
	[tilespmem:s1+$0x7800] =	vst v5;
	v3 =	vmul.f32 $1.000000000e+01, v6;
	v5 =	vld [tilespmem:s18+$0x0]  }
0x86: {  	s11 =	sor.u32 $0x280, s20;
	s22 =	sor.u32 $0x300, s17;
	s3 =	sor.u32 $0x300, s14;
	[tilespmem:s1+$0x7880] =	vst v0;
	v0 =	vmul.f32 $1.000000000e+01, v4;
	v4 =	vld [tilespmem:s1+$0x190]  }
0x87: {  	s10 =	sor.u32 $0x300, s20;
	s17 =	sor.u32 $0x380, s17;
	s14 =	sor.u32 $0x380, s14;
	[tilespmem:s1+$0x7900] =	vst v3;
	v2 =	vmul.f32 $1.000000000e+01, v2;
	v3 =	vld [tilespmem:s1+$0x20]  }
0x88: {  	s20 =	sor.u32 $0x380, s20;
	[tilespmem:s1+$0x7980] =	vst v0;
	v0 =	vmul.f32 $1.000000000e+01, v7;
	v6 =	vld [tilespmem:s1+$0xA0]  }
0x89: {  	[tilespmem:s1+$0x7810] =	vst v2;
	v1 =	vmul.f32 $1.000000000e+01, v1;
	v2 =	vld [tilespmem:s1+$0x120]  }
0x8a: {  	[tilespmem:s1+$0x7890] =	vst v0;
	v0 =	vld [tilespmem:s1+$0x1A0];
	v5 =	vmul.f32 $1.000000000e+01, v5  }
0x8b: {  	v7 =	vld [tilespmem:s5+$0x0];
	[tilespmem:s1+$0x7910] =	vst v1;
	v1 =	vmul.f32 $1.000000000e+01, v4  }
0x8c: {  	v3 =	vmul.f32 $1.000000000e+01, v3;
	[tilespmem:s18+$0x7800] =	vst v5;
	s18 =	sor.u32 $0x280, s30;
	v4 =	vld [tilespmem:s12+$0x0]  }
0x8d: {  	[tilespmem:s1+$0x7990] =	vst v1;
	v1 =	vmul.f32 $1.000000000e+01, v6;
	v5 =	vld [tilespmem:s18+$0x0]  }
0x8e: {  	v6 =	vld [tilespmem:s9+$0x0];
	[tilespmem:s1+$0x7820] =	vst v3;
	v2 =	vmul.f32 $1.000000000e+01, v2  }
0x8f: {  	[tilespmem:s1+$0x78A0] =	vst v1;
	v0 =	vmul.f32 $1.000000000e+01, v0;
	v3 =	vld [tilespmem:s8+$0x0]  }
0x90: {  	v1 =	vmul.f32 $1.000000000e+01, v7;
	[tilespmem:s1+$0x7920] =	vst v2;
	v7 =	vld [tilespmem:s2+$0x0]  }
0x91: {  	[tilespmem:s1+$0x79A0] =	vst v0;
	v0 =	vmul.f32 $1.000000000e+01, v4;
	v4 =	vld [tilespmem:s26+$0x0]  }
.Ltmp0:
0x92: {  	[tilespmem:s5+$0x7800] =	vst v1;
	v2 =	vld [tilespmem:s19+$0x0];
	v5 =	vmul.f32 $1.000000000e+01, v5;
	(pc) =	sbr.rel @p2 .LBB2_3-.Ltmp0, $4  }
0x93: {  	v1 =	vld [tilespmem:s11+$0x0];
	v6 =	vmul.f32 $1.000000000e+01, v6;
	[tilespmem:s12+$0x7800] =	vst v0;
	s12 =	smov.u32 s7  }
0x94: {  	s7 =	sor.u32 $0x300, s30;
	[tilespmem:s18+$0x7800] =	vst v5;
	v8 =	vmul.f32 $1.000000000e+01, v3;
	v0 =	vld [tilespmem:s0+$0x0]  }
0x95: {  	[tilespmem:s9+$0x7800] =	vst v6;
	v3 =	vld [tilespmem:s7+$0x0];
	v6 =	vmul.f32 $1.000000000e+01, v7  }
0x96: {  	s21 =	sadd.s32 $0x40, s21;
	s6 =	sadd.s32 $0x200, s6;
	v5 =	vld [tilespmem:s15+$0x0];
	[tilespmem:s8+$0x7800] =	vst v8;
	v4 =	vmul.f32 $1.000000000e+01, v4;
	s8 =	smov.u32 s10  }
0x97: {  	v2 =	vmul.f32 $1.000000000e+01, v2;
	_ =	sdelay $0x1  }
0x98: {  	[tilespmem:s19+$0x7800] =	vst v2  }
0x99: {  	v2 =	vld [tilespmem:s12+$0x0];
	_ =	sdelay $0x1  }
0x9a: {  	v1 =	vmul.f32 $1.000000000e+01, v1  }
0x9b: {  	v5 =	vmul.f32 $1.000000000e+01, v5  }
0x9c: {  	[tilespmem:s11+$0x7800] =	vst v1  }
0x9d: {  	[tilespmem:s15+$0x7800] =	vst v5;
	v1 =	vmul.f32 $1.000000000e+01, v2;
	v2 =	vld [tilespmem:s8+$0x0]  }
0x9e: {  	[tilespmem:s2+$0x7800] =	vst v6;
	v3 =	vmul.f32 $1.000000000e+01, v3;
	v5 =	vld [tilespmem:s3+$0x0]  }
0x9f: {  	v7 =	vld [tilespmem:s31+$0x0];
	v0 =	vmul.f32 $1.000000000e+01, v0;
	[tilespmem:s12+$0x7800] =	vst v1  }
0xa0: {  	s1 =	sor.u32 $0x380, s30;
	[tilespmem:s7+$0x7800] =	vst v3;
	v1 =	vld [tilespmem:s22+$0x0]  }
0xa1: {  	[tilespmem:s0+$0x7800] =	vst v0;
	v0 =	vld [tilespmem:s1+$0x0]  }
0xa2: {  	v6 =	vld [tilespmem:s28+$0x0];
	v2 =	vmul.f32 $1.000000000e+01, v2  }
0xa3: {  	v3 =	vmul.f32 $1.000000000e+01, v5  }
0xa4: {  	v5 =	vld [tilespmem:s29+$0x0];
	[tilespmem:s8+$0x7800] =	vst v2  }
0xa5: {  	[tilespmem:s3+$0x7800] =	vst v3;
	v1 =	vmul.f32 $1.000000000e+01, v1;
	v2 =	vld [tilespmem:s20+$0x0]  }
0xa6: {  	[tilespmem:s26+$0x7800] =	vst v4;
	v0 =	vmul.f32 $1.000000000e+01, v0;
	v3 =	vmul.f32 $1.000000000e+01, v7;
	v7 =	vld [tilespmem:s14+$0x0]  }
0xa7: {  	[tilespmem:s22+$0x7800] =	vst v1;
	v1 =	vmul.f32 $1.000000000e+01, v6  }
0xa8: {  	[tilespmem:s1+$0x7800] =	vst v0  }
0xa9: {  	v4 =	vld [tilespmem:s17+$0x0];
	[tilespmem:s28+$0x7800] =	vst v1;
	v1 =	vmul.f32 $1.000000000e+01, v5  }
0xaa: {  	[tilespmem:s31+$0x7800] =	vst v3;
	v0 =	vmul.f32 $1.000000000e+01, v2  }
0xab: {  	[tilespmem:s29+$0x7800] =	vst v1;
	v1 =	vmul.f32 $1.000000000e+01, v7  }
0xac: {  	s8 =	smul.u32 $0x3C00, s25;
	[tilespmem:s20+$0x7800] =	vst v0  }
0xad: {  	[tilespmem:s14+$0x7800] =	vst v1  }
0xae: {  	p1 =	seq.s32 s23, $0x40;
	s0 =	sadd.s32 s4, s8;
	v0 =	vmul.f32 $1.000000000e+01, v4;
	s1 =	rddreg [dreg:$0x6]  }
0xaf: {  	s9 =	rddreg [dreg:$0x1];
	s0 =	sshrl.u32 s0, $0x3;
	s1 =	sadd.s32 @!p1 s24, s1  }
0xb0: {  	s10 =	simm.s32 $0x7800;
	s0 =	sadd.s32 s9, s0;
	[tilespmem:s17+$0x7800] =	vst v0;
	s1 =	smul.u32 @!p1 $0x3C00, s1  }
0xb1: {  	[hbm4b:s0+s16] =	stream.linear.scatter [tilespmem:s10], [sflag:$0x3], $0x3C00, $0x38;
	[tilespmem:$0xF000] =	vst v63  }
0xb2: {  	s0 =	sadd.s32 @!p1 s4, s1  }
0xb3: {  	s1 =	rddreg [dreg:$0x0];
	s0 =	sshrl.u32 @!p1 s0, $0x3  }
0xb4: {  	s11 =	simm.s32 $0x2;
	s0 =	sadd.s32 @!p1 s1, s0;
	s1 =	simm.s32 @!p1 $0x0  }
0xb5: {  	[tilespmem:s1], [sflag:$0x1] =	stream.linear.gather @!p1 [hbm4b:s0+s1], $0x3C00, $0x38;
	[tilespmem:$0xF000] =	vst v63  }
0xb6: {  	_ =	swait.ge [sflag:s11], $0x3C00  }
0xb7: {  	[sflag:s11] =	ssyncset.done $0x0  }
0xb8: {  	s0 =	simm.s32 @!p0 $0x4;
	[sflag:s11] =	ssyncadd.s32 $0xFFFFC400  }
0xb9: {  	s12 =	simm.s32 $0x0;
	_ =	swait.ge @!p0 [sflag:s0], $0x3C00  }
0xba: {  	s13 =	sand.u32 $0x40, s12;
	s1 =	sand.u32 $0x3C00, s12;
	[sflag:s0] =	ssyncset.done @!p0 $0x0  }
0xbb: {  	s1 =	sor.u32 s13, s1;
	[sflag:s0] =	ssyncadd.s32 @!p0 $0xFFFFC400  }
0xbc: {  	v0 =	vld [tilespmem:s1+$0x3C30]  }
0xbd: {  	v1 =	vld [tilespmem:s1+$0x3CB0]  }
0xbe: {  	v2 =	vld [tilespmem:s1+$0x3D30]  }
0xbf: {  	v3 =	vld [tilespmem:s1+$0x3DB0]  }
0xc0: {  	v4 =	vld [tilespmem:s1+$0x3C00]  }
0xc1: {  	p0 =	por $0x0, $0x0;
	s0 =	simm.s32 $0x1;
	v5 =	vld [tilespmem:s1+$0x3C80];
	v0 =	vmul.f32 $1.000000000e+01, v0  }
0xc2: {  	s0 =	simm.s32 @!p0 $0x0;
	v6 =	vld [tilespmem:s1+$0x3D00];
	v1 =	vmul.f32 $1.000000000e+01, v1  }
0xc3: {  	s0 =	sshll.u32 s0, $0x6;
	[tilespmem:s1+$0xB430] =	vst v0;
	v0 =	vmul.f32 $1.000000000e+01, v2;
	v2 =	vld [tilespmem:s1+$0x3D80]  }
0xc4: {  	s2 =	sadd.s32 $0x0, s0;
	[tilespmem:s1+$0xB4B0] =	vst v1;
	v1 =	vmul.f32 $1.000000000e+01, v3;
	v3 =	vld [tilespmem:s1+$0x3C10]  }
0xc5: {  	s13 =	sadd.s32 $0x30, s2;
	[tilespmem:s1+$0xB530] =	vst v0;
	v0 =	vmul.f32 $1.000000000e+01, v4;
	v4 =	vld [tilespmem:s1+$0x3C90]  }
0xc6: {  	s14 =	sor.u32 $0x200, s13;
	[tilespmem:s1+$0xB5B0] =	vst v1;
	v1 =	vmul.f32 $1.000000000e+01, v5;
	v5 =	vld [tilespmem:s1+$0x3D10]  }
0xc7: {  	[tilespmem:s1+$0xB400] =	vst v0;
	v0 =	vmul.f32 $1.000000000e+01, v6;
	v6 =	vld [tilespmem:s14+$0x3C00]  }
0xc8: {  	[tilespmem:s1+$0xB480] =	vst v1;
	v1 =	vmul.f32 $1.000000000e+01, v2;
	v2 =	vld [tilespmem:s1+$0x3D90]  }
0xc9: {  	[tilespmem:s1+$0xB500] =	vst v0;
	v0 =	vmul.f32 $1.000000000e+01, v3  }
0xca: {  	v3 =	vld [tilespmem:s1+$0x3C20];
	[tilespmem:s1+$0xB580] =	vst v1;
	v1 =	vmul.f32 $1.000000000e+01, v4  }
0xcb: {  	v4 =	vld [tilespmem:s1+$0x3CA0];
	[tilespmem:s1+$0xB410] =	vst v0;
	v0 =	vmul.f32 $1.000000000e+01, v5  }
0xcc: {  	v5 =	vld [tilespmem:s1+$0x3D20];
	[tilespmem:s1+$0xB490] =	vst v1;
	v1 =	vmul.f32 $1.000000000e+01, v6  }
0xcd: {  	s15 =	sor.u32 $0x200, s2;
	v6 =	vld [tilespmem:s1+$0x3DA0];
	[tilespmem:s1+$0xB510] =	vst v0;
	v0 =	vmul.f32 $1.000000000e+01, v2  }
0xce: {  	s12 =	sadd.s32 $0x10, s2;
	s5 =	sor.u32 $0x280, s13;
	v2 =	vld [tilespmem:s15+$0x3C00];
	[tilespmem:s14+$0xB400] =	vst v1  }
0xcf: {  	s6 =	sor.u32 $0x200, s12;
	v1 =	vmul.f32 $1.000000000e+01, v3;
	[tilespmem:s1+$0xB590] =	vst v0;
	v0 =	vld [tilespmem:s5+$0x3C00]  }
0xd0: {  	v3 =	vmul.f32 $1.000000000e+01, v4;
	v4 =	vld [tilespmem:s6+$0x3C00]  }
0xd1: {  	[tilespmem:s1+$0xB420] =	vst v1;
	v1 =	vmul.f32 $1.000000000e+01, v5  }
0xd2: {  	[tilespmem:s1+$0xB4A0] =	vst v3;
	v3 =	vmul.f32 $1.000000000e+01, v6  }
0xd3: {  	s0 =	sadd.s32 $0x20, s2;
	v2 =	vmul.f32 $1.000000000e+01, v2;
	[tilespmem:s1+$0xB520] =	vst v1  }
0xd4: {  	s16 =	sor.u32 $0x200, s0;
	[tilespmem:s1+$0xB5A0] =	vst v3;
	v0 =	vmul.f32 $1.000000000e+01, v0  }
0xd5: {  	s17 =	sor.u32 $0x280, s2;
	[tilespmem:s15+$0xB400] =	vst v2;
	v1 =	vld [tilespmem:s16+$0x3C00];
	v2 =	vmul.f32 $1.000000000e+01, v4  }
0xd6: {  	s19 =	simm.s32 $0x200;
	s20 =	simm.s32 $0x40;
	s18 =	sor.u32 $0x300, s13;
	v3 =	vld [tilespmem:s17+$0x3C00];
	[tilespmem:s5+$0xB400] =	vst v0  }
0xd7: {  	s3 =	sand.u32 $0x3C00, s19;
	s21 =	sand.u32 $0x40, s20;
	s9 =	sor.u32 $0x280, s12;
	[tilespmem:s6+$0xB400] =	vst v2;
	v0 =	vld [tilespmem:s18+$0x3C00]  }
0xd8: {  	s3 =	sor.u32 s21, s3;
	v2 =	vld [tilespmem:s9+$0x3C00]  }
0xd9: {  	v4 =	vld [tilespmem:s3+$0x3C30]  }
0xda: {  	v5 =	vld [tilespmem:s3+$0x3CB0];
	v1 =	vmul.f32 $1.000000000e+01, v1  }
0xdb: {  	v6 =	vld [tilespmem:s3+$0x3D30];
	v3 =	vmul.f32 $1.000000000e+01, v3  }
0xdc: {  	[tilespmem:s16+$0xB400] =	vst v1;
	v1 =	vld [tilespmem:s3+$0x3DB0];
	v0 =	vmul.f32 $1.000000000e+01, v0  }
0xdd: {  	[tilespmem:s17+$0xB400] =	vst v3;
	v3 =	vld [tilespmem:s3+$0x3C00];
	v2 =	vmul.f32 $1.000000000e+01, v2  }
0xde: {  	p0 =	por !p0, !p0;
	s1 =	simm.s32 $0x1;
	[tilespmem:s18+$0xB400] =	vst v0;
	v0 =	vmul.f32 $1.000000000e+01, v4;
	v4 =	vld [tilespmem:s3+$0x3C80]  }
0xdf: {  	s1 =	simm.s32 @!p0 $0x0;
	[tilespmem:s9+$0xB400] =	vst v2;
	v2 =	vmul.f32 $1.000000000e+01, v5;
	v5 =	vld [tilespmem:s3+$0x3D00]  }
0xe0: {  	s1 =	sshll.u32 s1, $0x6;
	[tilespmem:s3+$0xB430] =	vst v0;
	v0 =	vmul.f32 $1.000000000e+01, v6;
	v6 =	vld [tilespmem:s3+$0x3D80]  }
0xe1: {  	s8 =	sadd.s32 $0x200, s1;
	v1 =	vmul.f32 $1.000000000e+01, v1;
	[tilespmem:s3+$0xB4B0] =	vst v2;
	v2 =	vld [tilespmem:s3+$0x3C10]  }
0xe2: {  	s1 =	sadd.s32 $0x30, s8;
	[tilespmem:s3+$0xB530] =	vst v0;
	v0 =	vmul.f32 $1.000000000e+01, v3;
	v3 =	vld [tilespmem:s3+$0x3C90]  }
0xe3: {  	s22 =	sor.u32 $0x200, s1;
	[tilespmem:s3+$0xB5B0] =	vst v1;
	v1 =	vmul.f32 $1.000000000e+01, v4;
	v4 =	vld [tilespmem:s3+$0x3D10]  }
0xe4: {  	[tilespmem:s3+$0xB400] =	vst v0;
	v0 =	vmul.f32 $1.000000000e+01, v5;
	v5 =	vld [tilespmem:s22+$0x3C00]  }
0xe5: {  	[tilespmem:s3+$0xB480] =	vst v1;
	v1 =	vmul.f32 $1.000000000e+01, v6;
	v6 =	vld [tilespmem:s3+$0x3D90]  }
0xe6: {  	[tilespmem:s3+$0xB500] =	vst v0;
	v0 =	vmul.f32 $1.000000000e+01, v2;
	v2 =	vld [tilespmem:s3+$0x3C20]  }
0xe7: {  	[tilespmem:s3+$0xB580] =	vst v1;
	v1 =	vmul.f32 $1.000000000e+01, v3;
	v3 =	vld [tilespmem:s3+$0x3CA0]  }
0xe8: {  	[tilespmem:s3+$0xB410] =	vst v0;
	v0 =	vmul.f32 $1.000000000e+01, v4;
	v4 =	vld [tilespmem:s3+$0x3D20]  }
0xe9: {  	s25 =	sor.u32 $0x200, s8;
	[tilespmem:s3+$0xB490] =	vst v1;
	v1 =	vld [tilespmem:s3+$0x3DA0];
	v5 =	vmul.f32 $1.000000000e+01, v5  }
0xea: {  	s26 =	sor.u32 $0x280, s0;
	v7 =	vld [tilespmem:s25+$0x3C00];
	[tilespmem:s3+$0xB510] =	vst v0;
	v0 =	vmul.f32 $1.000000000e+01, v6  }
0xeb: {  	s6 =	sadd.s32 $0x10, s8;
	s11 =	sor.u32 $0x280, s1;
	v2 =	vmul.f32 $1.000000000e+01, v2;
	[tilespmem:s22+$0xB400] =	vst v5;
	v5 =	vld [tilespmem:s26+$0x3C00]  }
0xec: {  	s10 =	sor.u32 $0x200, s6;
	[tilespmem:s3+$0xB590] =	vst v0;
	v0 =	vmul.f32 $1.000000000e+01, v3;
	v3 =	vld [tilespmem:s11+$0x3C00]  }
0xed: {  	s14 =	sor.u32 $0x300, s2;
	v6 =	vld [tilespmem:s10+$0x3C00];
	[tilespmem:s3+$0xB420] =	vst v2;
	v2 =	vmul.f32 $1.000000000e+01, v4  }
0xee: {  	s15 =	sor.u32 $0x300, s12;
	[tilespmem:s3+$0xB4A0] =	vst v0;
	v0 =	vmul.f32 $1.000000000e+01, v1;
	v1 =	vld [tilespmem:s14+$0x3C00]  }
0xef: {  	s17 =	sor.u32 $0x380, s13;
	s13 =	sadd.s32 $0x20, s8;
	v4 =	vmul.f32 $1.000000000e+01, v7;
	[tilespmem:s3+$0xB520] =	vst v2;
	v2 =	vld [tilespmem:s15+$0x3C00]  }
0xf0: {  	s16 =	sor.u32 $0x200, s13;
	v7 =	vld [tilespmem:s17+$0x3C00];
	[tilespmem:s3+$0xB5A0] =	vst v0;
	v0 =	vmul.f32 $1.000000000e+01, v5  }
0xf1: {  	s18 =	sor.u32 $0x280, s8;
	[tilespmem:s25+$0xB400] =	vst v4;
	v4 =	vld [tilespmem:s16+$0x3C00];
	v3 =	vmul.f32 $1.000000000e+01, v3  }
0xf2: {  	s19 =	sor.u32 $0x300, s0;
	v5 =	vld [tilespmem:s18+$0x3C00];
	v6 =	vmul.f32 $1.000000000e+01, v6;
	[tilespmem:s26+$0xB400] =	vst v0  }
0xf3: {  	s20 =	sor.u32 $0x300, s1;
	[tilespmem:s11+$0xB400] =	vst v3;
	v0 =	vmul.f32 $1.000000000e+01, v1;
	v1 =	vld [tilespmem:s19+$0x3C00]  }
0xf4: {  	s21 =	sor.u32 $0x280, s6;
	s22 =	simm.s32 $0x400;
	s25 =	simm.s32 $0x80;
	[tilespmem:s10+$0xB400] =	vst v6;
	v3 =	vld [tilespmem:s20+$0x3C00];
	v2 =	vmul.f32 $1.000000000e+01, v2  }
0xf5: {  	s2 =	sor.u32 $0x380, s2;
	s3 =	sand.u32 $0x3C00, s22;
	v6 =	vmul.f32 $1.000000000e+01, v7;
	s10 =	sand.u32 $0x40, s25;
	v7 =	vld [tilespmem:s21+$0x3C00];
	[tilespmem:s14+$0xB400] =	vst v0  }
0xf6: {  	s3 =	sor.u32 s10, s3;
	v0 =	vmul.f32 $1.000000000e+01, v4;
	v4 =	vld [tilespmem:s2+$0x3C00];
	[tilespmem:s15+$0xB400] =	vst v2  }
0xf7: {  	s26 =	sor.u32 $0x380, s12;
	[tilespmem:s17+$0xB400] =	vst v6;
	v2 =	vmul.f32 $1.000000000e+01, v5;
	v6 =	vld [tilespmem:s3+$0x3C30]  }
0xf8: {  	v5 =	vld [tilespmem:s26+$0x3C00];
	[tilespmem:s16+$0xB400] =	vst v0;
	v0 =	vmul.f32 $1.000000000e+01, v1  }
0xf9: {  	v1 =	vld [tilespmem:s3+$0x3CB0];
	[tilespmem:s18+$0xB400] =	vst v2;
	v2 =	vmul.f32 $1.000000000e+01, v3  }
0xfa: {  	v3 =	vld [tilespmem:s3+$0x3D30];
	v7 =	vmul.f32 $1.000000000e+01, v7;
	[tilespmem:s19+$0xB400] =	vst v0  }
0xfb: {  	s12 =	sor.u32 $0x380, s1;
	v0 =	vld [tilespmem:s3+$0x3DB0];
	[tilespmem:s20+$0xB400] =	vst v2;
	v2 =	vmul.f32 $1.000000000e+01, v4  }
0xfc: {  	v6 =	vmul.f32 $1.000000000e+01, v6;
	[tilespmem:s21+$0xB400] =	vst v7;
	v4 =	vld [tilespmem:s12+$0x3C00]  }
0xfd: {  	v5 =	vmul.f32 $1.000000000e+01, v5;
	v7 =	vld [tilespmem:s3+$0x3C00];
	[tilespmem:s2+$0xB400] =	vst v2  }
0xfe: {  	p0 =	por !p0, !p0;
	s1 =	simm.s32 $0x1;
	v2 =	vld [tilespmem:s3+$0x3C80];
	v1 =	vmul.f32 $1.000000000e+01, v1;
	[tilespmem:s3+$0xB430] =	vst v6  }
0xff: {  	s1 =	simm.s32 @!p0 $0x0;
	[tilespmem:s26+$0xB400] =	vst v5;
	v5 =	vld [tilespmem:s3+$0x3D00];
	v3 =	vmul.f32 $1.000000000e+01, v3  }
0x100: {  	s1 =	sshll.u32 s1, $0x6;
	v6 =	vld [tilespmem:s3+$0x3D80];
	[tilespmem:s3+$0xB4B0] =	vst v1;
	v0 =	vmul.f32 $1.000000000e+01, v0  }
0x101: {  	s1 =	sadd.s32 $0x400, s1;
	v1 =	vld [tilespmem:s3+$0x3C10];
	[tilespmem:s3+$0xB530] =	vst v3;
	v3 =	vmul.f32 $1.000000000e+01, v4  }
0x102: {  	s30 =	sadd.s32 $0x30, s1;
	v4 =	vmul.f32 $1.000000000e+01, v7;
	v7 =	vld [tilespmem:s3+$0x3C90];
	[tilespmem:s3+$0xB5B0] =	vst v0  }
0x103: {  	s14 =	sor.u32 $0x200, s30;
	v0 =	vmul.f32 $1.000000000e+01, v2;
	v2 =	vld [tilespmem:s3+$0x3D10];
	[tilespmem:s12+$0xB400] =	vst v3  }
0x104: {  	[tilespmem:s3+$0xB400] =	vst v4;
	v3 =	vmul.f32 $1.000000000e+01, v5;
	v4 =	vld [tilespmem:s14+$0x3C00]  }
0x105: {  	v5 =	vld [tilespmem:s3+$0x3D90];
	[tilespmem:s3+$0xB480] =	vst v0;
	v0 =	vmul.f32 $1.000000000e+01, v6  }
0x106: {  	v1 =	vmul.f32 $1.000000000e+01, v1;
	[tilespmem:s3+$0xB500] =	vst v3;
	v3 =	vld [tilespmem:s3+$0x3C20]  }
0x107: {  	v6 =	vld [tilespmem:s3+$0x3CA0];
	[tilespmem:s3+$0xB580] =	vst v0;
	v0 =	vmul.f32 $1.000000000e+01, v7  }
0x108: {  	[tilespmem:s3+$0xB410] =	vst v1;
	v1 =	vmul.f32 $1.000000000e+01, v2;
	v2 =	vld [tilespmem:s3+$0x3D20]  }
0x109: {  	s15 =	sor.u32 $0x200, s1;
	[tilespmem:s3+$0xB490] =	vst v0;
	v0 =	vld [tilespmem:s3+$0x3DA0];
	v4 =	vmul.f32 $1.000000000e+01, v4  }
0x10a: {  	s17 =	sor.u32 $0x280, s13;
	v7 =	vld [tilespmem:s15+$0x3C00];
	[tilespmem:s3+$0xB510] =	vst v1;
	v1 =	vmul.f32 $1.000000000e+01, v5  }
0x10b: {  	s18 =	sadd.s32 $0x10, s1;
	v3 =	vmul.f32 $1.000000000e+01, v3;
	[tilespmem:s14+$0xB400] =	vst v4;
	s14 =	sor.u32 $0x280, s30;
	v4 =	vld [tilespmem:s17+$0x3C00]  }
0x10c: {  	s16 =	sor.u32 $0x200, s18;
	[tilespmem:s3+$0xB590] =	vst v1;
	v1 =	vmul.f32 $1.000000000e+01, v6;
	v5 =	vld [tilespmem:s14+$0x3C00]  }
0x10d: {  	s21 =	sor.u32 $0x300, s8;
	v6 =	vld [tilespmem:s16+$0x3C00];
	[tilespmem:s3+$0xB420] =	vst v3;
	v2 =	vmul.f32 $1.000000000e+01, v2  }
0x10e: {  	s31 =	sor.u32 $0x380, s8;
	s2 =	sor.u32 $0x300, s6;
	v3 =	vld [tilespmem:s21+$0x3C00];
	[tilespmem:s3+$0xB4A0] =	vst v1;
	v0 =	vmul.f32 $1.000000000e+01, v0  }
0x10f: {  	s20 =	sadd.s32 $0x20, s1;
	s26 =	sor.u32 $0x380, s0;
	v1 =	vmul.f32 $1.000000000e+01, v7;
	v7 =	vld [tilespmem:s2+$0x3C00];
	s11 =	rddreg [dreg:$0x7];
	[tilespmem:s3+$0xB520] =	vst v2  }
0x110: {  	s28 =	sor.u32 $0x380, s6;
	s29 =	sor.u32 $0x380, s13;
	s19 =	sor.u32 $0x200, s20;
	[tilespmem:s3+$0xB5A0] =	vst v0;
	v0 =	vmul.f32 $1.000000000e+01, v4;
	v4 =	vld [tilespmem:s26+$0x3C00]  }
0x111: {  	s7 =	sor.u32 $0x300, s30;
	s25 =	sadd.s32 s24, s11;
	s11 =	sor.u32 $0x280, s1;
	[tilespmem:s15+$0xB400] =	vst v1;
	v2 =	vld [tilespmem:s19+$0x3C00];
	v5 =	vmul.f32 $1.000000000e+01, v5  }
0x112: {  	s22 =	sor.u32 $0x280, s18;
	s8 =	sor.u32 $0x300, s1;
	s0 =	sor.u32 $0x300, s13;
	v1 =	vld [tilespmem:s11+$0x3C00];
	v6 =	vmul.f32 $1.000000000e+01, v6;
	[tilespmem:s17+$0xB400] =	vst v0  }
0x113: {  	s6 =	simm.s32 $0x600;
	s13 =	simm.s32 $0x8;
	s12 =	sor.u32 $0x280, s20;
	v8 =	vmul.f32 $1.000000000e+01, v3;
	[tilespmem:s14+$0xB400] =	vst v5;
	v0 =	vld [tilespmem:s0+$0x3C00]  }
0x114: {  	s3 =	sor.u32 $0x300, s18;
	s15 =	sor.u32 $0x300, s20;
	s17 =	sor.u32 $0x380, s20;
	[tilespmem:s16+$0xB400] =	vst v6;
	v3 =	vld [tilespmem:s7+$0x3C00];
	v6 =	vmul.f32 $1.000000000e+01, v7  }
0x115: {  	s20 =	sor.u32 $0x380, s1;
	s14 =	sor.u32 $0x380, s18;
	[tilespmem:s21+$0xB400] =	vst v8;
	s21 =	simm.s32 $0xC0;
	v5 =	vld [tilespmem:s22+$0x3C00];
	v4 =	vmul.f32 $1.000000000e+01, v4  }
.LBB2_5:
0x116: {  	s1 =	sand.u32 $0x40, s21;
	s5 =	sand.u32 $0x3C00, s6;
	v2 =	vmul.f32 $1.000000000e+01, v2;
	v7 =	vld [tilespmem:s31+$0x3C00];
	[tilespmem:s2+$0xB400] =	vst v6;
	s2 =	smov.u32 s3  }
0x117: {  	s1 =	sor.u32 s1, s5;
	v1 =	vmul.f32 $1.000000000e+01, v1;
	v6 =	vld [tilespmem:s28+$0x3C00];
	[tilespmem:s26+$0xB400] =	vst v4;
	s26 =	smov.u32 s29;
	s29 =	smov.u32 s17  }
0x118: {  	v4 =	vld [tilespmem:s1+$0x3C30];
	[tilespmem:s19+$0xB400] =	vst v2;
	v0 =	vmul.f32 $1.000000000e+01, v0  }
0x119: {  	v2 =	vld [tilespmem:s1+$0x3CB0];
	[tilespmem:s11+$0xB400] =	vst v1;
	v1 =	vmul.f32 $1.000000000e+01, v3  }
0x11a: {  	s13 =	sadd.s32 $0x4, s13;
	v3 =	vld [tilespmem:s1+$0x3D30];
	v5 =	vmul.f32 $1.000000000e+01, v5;
	[tilespmem:s0+$0xB400] =	vst v0;
	s0 =	smov.u32 s15  }
0x11b: {  	s3 =	sor.u32 $0x380, s30;
	p2 =	slt.u32 s13, $0x74;
	v0 =	vld [tilespmem:s1+$0x3DB0];
	[tilespmem:s7+$0xB400] =	vst v1;
	v1 =	vmul.f32 $1.000000000e+01, v7  }
0x11c: {  	[tilespmem:s22+$0xB400] =	vst v5;
	v5 =	vld [tilespmem:s3+$0x3C00];
	v6 =	vmul.f32 $1.000000000e+01, v6  }
0x11d: {  	v7 =	vld [tilespmem:s1+$0x3C00];
	v4 =	vmul.f32 $1.000000000e+01, v4;
	[tilespmem:s31+$0xB400] =	vst v1;
	s31 =	smov.u32 s20  }
0x11e: {  	p0 =	por !p0, !p0;
	s5 =	simm.s32 $0x1;
	v1 =	vld [tilespmem:s1+$0x3C80];
	v2 =	vmul.f32 $1.000000000e+01, v2;
	[tilespmem:s28+$0xB400] =	vst v6;
	s28 =	smov.u32 s14  }
0x11f: {  	s5 =	simm.s32 @!p0 $0x0;
	v6 =	vld [tilespmem:s1+$0x3D00];
	[tilespmem:s1+$0xB430] =	vst v4;
	v3 =	vmul.f32 $1.000000000e+01, v3  }
0x120: {  	s5 =	sshll.u32 s5, $0x6;
	v4 =	vld [tilespmem:s1+$0x3D80];
	[tilespmem:s1+$0xB4B0] =	vst v2;
	v0 =	vmul.f32 $1.000000000e+01, v0  }
0x121: {  	s5 =	sadd.s32 s5, s6;
	v2 =	vld [tilespmem:s1+$0x3C10];
	[tilespmem:s1+$0xB530] =	vst v3;
	v3 =	vmul.f32 $1.000000000e+01, v5  }
0x122: {  	s17 =	sadd.s32 $0x20, s5;
	s30 =	sadd.s32 $0x30, s5;
	s14 =	sadd.s32 $0x10, s5;
	v5 =	vmul.f32 $1.000000000e+01, v7;
	v7 =	vld [tilespmem:s1+$0x3C90];
	[tilespmem:s1+$0xB5B0] =	vst v0  }
0x123: {  	s19 =	sor.u32 $0x200, s17;
	s18 =	sor.u32 $0x200, s30;
	s9 =	sor.u32 $0x200, s14;
	v0 =	vmul.f32 $1.000000000e+01, v1;
	v1 =	vld [tilespmem:s1+$0x3D10];
	[tilespmem:s3+$0xB400] =	vst v3  }
0x124: {  	s16 =	sor.u32 $0x200, s5;
	s7 =	sor.u32 $0x280, s17;
	s22 =	sor.u32 $0x280, s14;
	[tilespmem:s1+$0xB400] =	vst v5;
	v3 =	vmul.f32 $1.000000000e+01, v6;
	v5 =	vld [tilespmem:s18+$0x3C00]  }
0x125: {  	s11 =	sor.u32 $0x280, s5;
	s15 =	sor.u32 $0x300, s17;
	s3 =	sor.u32 $0x300, s14;
	[tilespmem:s1+$0xB480] =	vst v0;
	v0 =	vmul.f32 $1.000000000e+01, v4;
	v4 =	vld [tilespmem:s1+$0x3D90]  }
0x126: {  	s10 =	sor.u32 $0x300, s5;
	s17 =	sor.u32 $0x380, s17;
	s14 =	sor.u32 $0x380, s14;
	[tilespmem:s1+$0xB500] =	vst v3;
	v2 =	vmul.f32 $1.000000000e+01, v2;
	v3 =	vld [tilespmem:s1+$0x3C20]  }
0x127: {  	s20 =	sor.u32 $0x380, s5;
	[tilespmem:s1+$0xB580] =	vst v0;
	v0 =	vmul.f32 $1.000000000e+01, v7;
	v6 =	vld [tilespmem:s1+$0x3CA0]  }
0x128: {  	[tilespmem:s1+$0xB410] =	vst v2;
	v1 =	vmul.f32 $1.000000000e+01, v1;
	v2 =	vld [tilespmem:s1+$0x3D20]  }
0x129: {  	[tilespmem:s1+$0xB490] =	vst v0;
	v0 =	vld [tilespmem:s1+$0x3DA0];
	v5 =	vmul.f32 $1.000000000e+01, v5  }
0x12a: {  	v7 =	vld [tilespmem:s16+$0x3C00];
	[tilespmem:s1+$0xB510] =	vst v1;
	v1 =	vmul.f32 $1.000000000e+01, v4  }
0x12b: {  	s5 =	sor.u32 $0x280, s30;
	v3 =	vmul.f32 $1.000000000e+01, v3;
	[tilespmem:s18+$0xB400] =	vst v5;
	v4 =	vld [tilespmem:s12+$0x3C00]  }
0x12c: {  	[tilespmem:s1+$0xB590] =	vst v1;
	v1 =	vmul.f32 $1.000000000e+01, v6;
	v5 =	vld [tilespmem:s5+$0x3C00]  }
0x12d: {  	v6 =	vld [tilespmem:s9+$0x3C00];
	[tilespmem:s1+$0xB420] =	vst v3;
	v2 =	vmul.f32 $1.000000000e+01, v2  }
0x12e: {  	[tilespmem:s1+$0xB4A0] =	vst v1;
	v0 =	vmul.f32 $1.000000000e+01, v0;
	v3 =	vld [tilespmem:s8+$0x3C00]  }
0x12f: {  	v1 =	vmul.f32 $1.000000000e+01, v7;
	[tilespmem:s1+$0xB520] =	vst v2;
	v7 =	vld [tilespmem:s2+$0x3C00]  }
0x130: {  	[tilespmem:s1+$0xB5A0] =	vst v0;
	v0 =	vmul.f32 $1.000000000e+01, v4;
	v4 =	vld [tilespmem:s26+$0x3C00]  }
.Ltmp1:
0x131: {  	[tilespmem:s16+$0xB400] =	vst v1;
	v2 =	vld [tilespmem:s19+$0x3C00];
	v5 =	vmul.f32 $1.000000000e+01, v5;
	(pc) =	sbr.rel @p2 .LBB2_5-.Ltmp1, $4  }
0x132: {  	v1 =	vld [tilespmem:s11+$0x3C00];
	v6 =	vmul.f32 $1.000000000e+01, v6;
	[tilespmem:s12+$0xB400] =	vst v0;
	s12 =	smov.u32 s7  }
0x133: {  	s7 =	sor.u32 $0x300, s30;
	[tilespmem:s5+$0xB400] =	vst v5;
	v8 =	vmul.f32 $1.000000000e+01, v3;
	v0 =	vld [tilespmem:s0+$0x3C00]  }
0x134: {  	[tilespmem:s9+$0xB400] =	vst v6;
	v3 =	vld [tilespmem:s7+$0x3C00];
	v6 =	vmul.f32 $1.000000000e+01, v7  }
0x135: {  	s21 =	sadd.s32 $0x40, s21;
	s6 =	sadd.s32 $0x200, s6;
	v5 =	vld [tilespmem:s22+$0x3C00];
	[tilespmem:s8+$0xB400] =	vst v8;
	v4 =	vmul.f32 $1.000000000e+01, v4;
	s8 =	smov.u32 s10  }
0x136: {  	v2 =	vmul.f32 $1.000000000e+01, v2;
	_ =	sdelay $0x1  }
0x137: {  	[tilespmem:s19+$0xB400] =	vst v2  }
0x138: {  	v2 =	vld [tilespmem:s12+$0x3C00];
	_ =	sdelay $0x2  }
0x139: {  	v1 =	vmul.f32 $1.000000000e+01, v1  }
0x13a: {  	v5 =	vmul.f32 $1.000000000e+01, v5  }
0x13b: {  	[tilespmem:s11+$0xB400] =	vst v1;
	v51 =	vmul.f32 $1.000000000e+01, v2  }
0x13c: {  	v52 =	vld [tilespmem:s8+$0x3C00];
	[tilespmem:s22+$0xB400] =	vst v5  }
0x13d: {  	v5 =	vld [tilespmem:s3+$0x3C00];
	[tilespmem:s12+$0xB400] =	vst v51  }
0x13e: {  	v1 =	vld [tilespmem:s15+$0x3C00]  }
0x13f: {  	v0 =	vmul.f32 $1.000000000e+01, v0  }
0x140: {  	v7 =	vld [tilespmem:s31+$0x3C00];
	[tilespmem:s2+$0xB400] =	vst v6;
	v3 =	vmul.f32 $1.000000000e+01, v3  }
0x141: {  	v6 =	vld [tilespmem:s28+$0x3C00];
	[tilespmem:s0+$0xB400] =	vst v0;
	v2 =	vmul.f32 $1.000000000e+01, v52  }
0x142: {  	s1 =	sor.u32 $0x380, s30;
	[tilespmem:s7+$0xB400] =	vst v3;
	v55 =	vld [tilespmem:s29+$0x3C00];
	v54 =	vmul.f32 $1.000000000e+01, v5  }
0x143: {  	v53 =	vld [tilespmem:s1+$0x3C00];
	[tilespmem:s8+$0xB400] =	vst v2;
	v1 =	vmul.f32 $1.000000000e+01, v1  }
0x144: {  	v2 =	vld [tilespmem:s20+$0x3C00];
	[tilespmem:s3+$0xB400] =	vst v54  }
0x145: {  	v56 =	vmul.f32 $1.000000000e+01, v7;
	v57 =	vld [tilespmem:s14+$0x3C00];
	[tilespmem:s15+$0xB400] =	vst v1  }
0x146: {  	[tilespmem:s26+$0xB400] =	vst v4;
	v58 =	vmul.f32 $1.000000000e+01, v6;
	v59 =	vld [tilespmem:s17+$0x3C00]  }
0x147: {  	[tilespmem:s31+$0xB400] =	vst v56;
	v60 =	vmul.f32 $1.000000000e+01, v55  }
0x148: {  	[tilespmem:s28+$0xB400] =	vst v58;
	v0 =	vmul.f32 $1.000000000e+01, v53  }
0x149: {  	s28 =	smul.u32 $0x3C00, s25;
	[tilespmem:s29+$0xB400] =	vst v60;
	v61 =	vmul.f32 $1.000000000e+01, v2  }
.Ltmp2:
0x14a: {  	[tilespmem:s1+$0xB400] =	vst v0;
	v62 =	vmul.f32 $1.000000000e+01, v57;
	(pc) =	sbr.rel @p1 .LBB2_8-.Ltmp2, $4  }
0x14b: {  	s0 =	sadd.s32 s4, s28;
	[tilespmem:s20+$0xB400] =	vst v61;
	v63 =	vmul.f32 $1.000000000e+01, v59  }
0x14c: {  	s30 =	rddreg [dreg:$0x1];
	s0 =	sshrl.u32 s0, $0x3;
	[tilespmem:s14+$0xB400] =	vst v62  }
0x14d: {  	s16 =	simm.s32 $0x0;
	s31 =	simm.s32 $0xB400;
	s0 =	sadd.s32 s30, s0;
	[tilespmem:s17+$0xB400] =	vst v63  }
0x14e: {  	[hbm4b:s0+s16] =	stream.linear.scatter [tilespmem:s31], [sflag:$0x4], $0x3C00, $0x38;
	[tilespmem:$0xF000] =	vst v63  }
0x14f: {  	s0 =	rddreg [dreg:$0x8]  }
0x150: {  	s0 =	sadd.s32 s24, s0  }
0x151: {  	s0 =	smul.u32 $0x3C00, s0  }
.Ltmp3:
0x152: {  	_ = 	snop;
	(pc) =	sbr.rel .LBB2_2-.Ltmp3, $4  }
0x153: {  	s0 =	sadd.s32 s4, s0  }
0x154: {  	s1 =	rddreg [dreg:$0x0];
	s0 =	sshrl.u32 s0, $0x3  }
0x155: {  	s31 =	simm.s32 $0x3C00;
	s23 =	sadd.s32 $0x1, s23;
	s0 =	sadd.s32 s1, s0  }
0x156: {  	[tilespmem:s31], [sflag:$0x2] =	stream.linear.gather [hbm4b:s0+s16], $0x3C00, $0x38;
	[tilespmem:$0xF000] =	vst v63  }
.LBB2_8:
0x157: {  	s2 =	simm.s32 $0x0;
	s0 =	rddreg [dreg:$0x9];
	s10 =	simm.s32 $0x3  }
0x158: {  	[tilespmem:s2], [sflag:$0x1] =	stream.linear.gather [hbm4b:s0+s2], $0xC00, $0x38;
	[tilespmem:$0xF000] =	vst v63  }
0x159: {  	_ =	swait.ge [sflag:s10], $0x3C00  }
0x15a: {  	[sflag:s10] =	ssyncset.done $0x0  }
0x15b: {  	s11 =	simm.s32 $0x4;
	[sflag:s10] =	ssyncadd.s32 $0xFFFFC400  }
0x15c: {  	_ =	swait.ge [sflag:s11], $0x3C00  }
0x15d: {  	[sflag:s11] =	ssyncset.done $0x0  }
0x15e: {  	s1 =	simm.s32 $0x1;
	[sflag:s11] =	ssyncadd.s32 $0xFFFFC400  }
0x15f: {  	_ =	swait.ge [sflag:s1], $0xC00  }
0x160: {  	s12 =	sand.u32 $0x40, s2;
	s3 =	sand.u32 $0xC00, s2;
	[sflag:s1] =	ssyncset.done $0x0  }
0x161: {  	s13 =	sor.u32 s12, s3;
	[sflag:s1] =	ssyncadd.s32 $0xFFFFF400  }
0x162: {  	v0 =	vld [tilespmem:s13+$0x0]  }
0x163: {  	v1 =	vld [tilespmem:s13+$0x80]  }
0x164: {  	v2 =	vld [tilespmem:s13+$0x100];
	_ =	sdelay $0x2  }
0x165: {  	v4 =	vld [tilespmem:s13+$0x90];
	v0 =	vmul.f32 $1.000000000e+01, v0  }
0x166: {  	v3 =	vld [tilespmem:s13+$0x10];
	v1 =	vmul.f32 $1.000000000e+01, v1  }
0x167: {  	v5 =	vld [tilespmem:s13+$0x20];
	[tilespmem:s13+$0x7800] =	vst v0;
	v0 =	vmul.f32 $1.000000000e+01, v2  }
0x168: {  	s16 =	sor.u32 s3, s2;
	v2 =	vld [tilespmem:s13+$0x110];
	[tilespmem:s13+$0x7880] =	vst v1  }
0x169: {  	s0 =	sor.u32 $0x180, s16;
	v1 =	vld [tilespmem:s13+$0x190];
	[tilespmem:s13+$0x7900] =	vst v0  }
0x16a: {  	v4 =	vmul.f32 $1.000000000e+01, v4;
	v0 =	vld [tilespmem:s0+$0x0]  }
0x16b: {  	v6 =	vld [tilespmem:s13+$0xA0]  }
0x16c: {  	v3 =	vmul.f32 $1.000000000e+01, v3;
	[tilespmem:s13+$0x7890] =	vst v4;
	v4 =	vld [tilespmem:s13+$0x1A0]  }
0x16d: {  	p0 =	por $0x0, $0x0;
	s3 =	simm.s32 $0x1;
	v2 =	vmul.f32 $1.000000000e+01, v2  }
0x16e: {  	s3 =	simm.s32 @!p0 $0x0;
	[tilespmem:s13+$0x7810] =	vst v3;
	v3 =	vld [tilespmem:s13+$0x120];
	v1 =	vmul.f32 $1.000000000e+01, v1  }
0x16f: {  	s3 =	sshll.u32 s3, $0x6;
	[tilespmem:s13+$0x7910] =	vst v2;
	v0 =	vmul.f32 $1.000000000e+01, v0  }
0x170: {  	s3 =	sadd.s32 $0x0, s3;
	v2 =	vmul.f32 $1.000000000e+01, v5;
	[tilespmem:s13+$0x7990] =	vst v1;
	v1 =	vld [tilespmem:s13+$0x30]  }
0x171: {  	s17 =	sor.u32 $0x200, s3;
	v4 =	vmul.f32 $1.000000000e+01, v4;
	v5 =	vmul.f32 $1.000000000e+01, v6;
	v6 =	vld [tilespmem:s13+$0xB0];
	[tilespmem:s0+$0x7800] =	vst v0  }
0x172: {  	[tilespmem:s13+$0x7820] =	vst v2;
	v2 =	vld [tilespmem:s17+$0x0]  }
0x173: {  	s15 =	sadd.s32 $0x10, s3;
	[tilespmem:s13+$0x79A0] =	vst v4;
	v0 =	vmul.f32 $1.000000000e+01, v3;
	v3 =	vld [tilespmem:s13+$0x130]  }
0x174: {  	s14 =	sadd.s32 $0x20, s3;
	s5 =	sor.u32 $0x200, s15;
	[tilespmem:s13+$0x78A0] =	vst v5;
	v5 =	vld [tilespmem:s13+$0x1B0]  }
0x175: {  	s7 =	sor.u32 $0x200, s14;
	[tilespmem:s13+$0x7920] =	vst v0;
	v0 =	vmul.f32 $1.000000000e+01, v1;
	v1 =	vld [tilespmem:s5+$0x0]  }
0x176: {  	v4 =	vmul.f32 $1.000000000e+01, v6;
	v6 =	vld [tilespmem:s7+$0x0]  }
0x177: {  	[tilespmem:s13+$0x7830] =	vst v0;
	v0 =	vmul.f32 $1.000000000e+01, v2  }
0x178: {  	[tilespmem:s13+$0x78B0] =	vst v4;
	v2 =	vmul.f32 $1.000000000e+01, v3  }
0x179: {  	s9 =	sor.u32 $0x280, s3;
	v3 =	vmul.f32 $1.000000000e+01, v5;
	[tilespmem:s17+$0x7800] =	vst v0  }
0x17a: {  	s0 =	sadd.s32 $0x30, s3;
	[tilespmem:s13+$0x7930] =	vst v2;
	v0 =	vmul.f32 $1.000000000e+01, v1;
	v1 =	vld [tilespmem:s9+$0x0]  }
0x17b: {  	s10 =	sor.u32 $0x200, s0;
	[tilespmem:s13+$0x79B0] =	vst v3;
	v2 =	vmul.f32 $1.000000000e+01, v6  }
0x17c: {  	s6 =	simm.s32 $0x200;
	s8 =	simm.s32 $0x40;
	s11 =	sor.u32 $0x280, s15;
	v3 =	vld [tilespmem:s10+$0x0];
	[tilespmem:s5+$0x7800] =	vst v0  }
0x17d: {  	s19 =	sand.u32 $0x40, s8;
	s20 =	sand.u32 $0xC00, s6;
	s18 =	sor.u32 $0x280, s14;
	[tilespmem:s7+$0x7800] =	vst v2;
	v0 =	vld [tilespmem:s11+$0x0]  }
0x17e: {  	s1 =	sor.u32 s19, s20;
	v2 =	vld [tilespmem:s18+$0x0]  }
0x17f: {  	v4 =	vld [tilespmem:s1+$0x0];
	v1 =	vmul.f32 $1.000000000e+01, v1  }
0x180: {  	v5 =	vld [tilespmem:s1+$0x80]  }
0x181: {  	s3 =	sor.u32 $0x300, s3;
	v6 =	vld [tilespmem:s1+$0x100];
	v3 =	vmul.f32 $1.000000000e+01, v3;
	[tilespmem:s9+$0x7800] =	vst v1  }
0x182: {  	v0 =	vmul.f32 $1.000000000e+01, v0;
	v1 =	vld [tilespmem:s3+$0x0]  }
0x183: {  	[tilespmem:s10+$0x7800] =	vst v3;
	v2 =	vmul.f32 $1.000000000e+01, v2;
	v3 =	vld [tilespmem:s1+$0x10]  }
0x184: {  	[tilespmem:s11+$0x7800] =	vst v0;
	v0 =	vmul.f32 $1.000000000e+01, v4;
	v4 =	vld [tilespmem:s1+$0x90]  }
0x185: {  	[tilespmem:s18+$0x7800] =	vst v2;
	v2 =	vmul.f32 $1.000000000e+01, v5;
	v5 =	vld [tilespmem:s1+$0x110]  }
0x186: {  	[tilespmem:s1+$0x7800] =	vst v0;
	v0 =	vmul.f32 $1.000000000e+01, v6;
	v6 =	vld [tilespmem:s1+$0x190]  }
0x187: {  	s21 =	sor.u32 s20, s8;
	[tilespmem:s1+$0x7880] =	vst v2;
	v2 =	vld [tilespmem:s1+$0x20];
	v1 =	vmul.f32 $1.000000000e+01, v1  }
0x188: {  	s5 =	sor.u32 $0x180, s21;
	[tilespmem:s1+$0x7900] =	vst v0;
	v0 =	vmul.f32 $1.000000000e+01, v3;
	v3 =	vld [tilespmem:s1+$0xA0]  }
0x189: {  	v7 =	vld [tilespmem:s5+$0x0];
	v4 =	vmul.f32 $1.000000000e+01, v4;
	[tilespmem:s3+$0x7800] =	vst v1  }
0x18a: {  	[tilespmem:s1+$0x7810] =	vst v0;
	v0 =	vmul.f32 $1.000000000e+01, v5;
	v1 =	vld [tilespmem:s1+$0x120]  }
0x18b: {  	v5 =	vld [tilespmem:s1+$0x1A0];
	[tilespmem:s1+$0x7890] =	vst v4;
	v4 =	vmul.f32 $1.000000000e+01, v6  }
0x18c: {  	p0 =	por !p0, !p0;
	s3 =	simm.s32 $0x1;
	[tilespmem:s1+$0x7910] =	vst v0;
	v0 =	vmul.f32 $1.000000000e+01, v2;
	v2 =	vld [tilespmem:s1+$0x30]  }
0x18d: {  	s3 =	simm.s32 @!p0 $0x0;
	[tilespmem:s1+$0x7990] =	vst v4;
	v3 =	vmul.f32 $1.000000000e+01, v3;
	v4 =	vld [tilespmem:s1+$0xB0]  }
0x18e: {  	s3 =	sshll.u32 s3, $0x6;
	v6 =	vmul.f32 $1.000000000e+01, v7;
	[tilespmem:s1+$0x7820] =	vst v0;
	v0 =	vld [tilespmem:s1+$0x130]  }
0x18f: {  	s22 =	sor.u32 $0x280, s0;
	s3 =	sadd.s32 $0x200, s3;
	[tilespmem:s1+$0x78A0] =	vst v3;
	v1 =	vmul.f32 $1.000000000e+01, v1;
	v3 =	vld [tilespmem:s1+$0x1B0]  }
0x190: {  	s23 =	sor.u32 $0x200, s3;
	s12 =	sadd.s32 $0x10, s3;
	v5 =	vmul.f32 $1.000000000e+01, v5;
	[tilespmem:s5+$0x7800] =	vst v6;
	v6 =	vld [tilespmem:s22+$0x0]  }
0x191: {  	s13 =	sadd.s32 $0x20, s3;
	s24 =	sor.u32 $0x200, s12;
	v7 =	vld [tilespmem:s23+$0x0];
	[tilespmem:s1+$0x7920] =	vst v1;
	v1 =	vmul.f32 $1.000000000e+01, v2  }
0x192: {  	s25 =	sor.u32 $0x200, s13;
	v2 =	vld [tilespmem:s24+$0x0];
	[tilespmem:s1+$0x79A0] =	vst v5;
	v4 =	vmul.f32 $1.000000000e+01, v4  }
0x193: {  	s26 =	sor.u32 $0x300, s15;
	v5 =	vld [tilespmem:s25+$0x0];
	[tilespmem:s1+$0x7830] =	vst v1;
	v0 =	vmul.f32 $1.000000000e+01, v0  }
0x194: {  	s2 =	sor.u32 s2, s2;
	s16 =	sor.u32 $0x300, s14;
	[tilespmem:s1+$0x78B0] =	vst v4;
	v1 =	vmul.f32 $1.000000000e+01, v3;
	v3 =	vld [tilespmem:s26+$0x0]  }
0x195: {  	s2 =	sor.u32 $0x380, s2;
	s17 =	sadd.s32 $0x30, s3;
	[tilespmem:s1+$0x7930] =	vst v0;
	v0 =	vld [tilespmem:s16+$0x0];
	v4 =	vmul.f32 $1.000000000e+01, v6  }
0x196: {  	s18 =	sor.u32 $0x200, s17;
	v6 =	vld [tilespmem:s2+$0x0];
	v7 =	vmul.f32 $1.000000000e+01, v7;
	[tilespmem:s1+$0x79B0] =	vst v1  }
0x197: {  	s19 =	sor.u32 $0x300, s0;
	v1 =	vmul.f32 $1.000000000e+01, v2;
	v2 =	vld [tilespmem:s18+$0x0];
	[tilespmem:s22+$0x7800] =	vst v4  }
0x198: {  	s5 =	sor.u32 $0x280, s3;
	v4 =	vmul.f32 $1.000000000e+01, v5;
	[tilespmem:s23+$0x7800] =	vst v7;
	v5 =	vld [tilespmem:s19+$0x0]  }
0x199: {  	s7 =	sor.u32 $0x280, s12;
	[tilespmem:s24+$0x7800] =	vst v1;
	v7 =	vld [tilespmem:s5+$0x0];
	v1 =	vmul.f32 $1.000000000e+01, v3  }
0x19a: {  	s20 =	sor.u32 $0x280, s13;
	v3 =	vld [tilespmem:s7+$0x0];
	[tilespmem:s25+$0x7800] =	vst v4;
	v0 =	vmul.f32 $1.000000000e+01, v0  }
0x19b: {  	s21 =	sor.u32 $0x380, s15;
	s23 =	simm.s32 $0x400;
	s24 =	simm.s32 $0x80;
	v4 =	vmul.f32 $1.000000000e+01, v6;
	v6 =	vld [tilespmem:s20+$0x0];
	[tilespmem:s26+$0x7800] =	vst v1  }
0x19c: {  	s22 =	sor.u32 $0x380, s14;
	s25 =	sand.u32 $0x40, s24;
	s26 =	sand.u32 $0xC00, s23;
	v1 =	vmul.f32 $1.000000000e+01, v2;
	v2 =	vld [tilespmem:s21+$0x0];
	[tilespmem:s16+$0x7800] =	vst v0  }
0x19d: {  	[tilespmem:s2+$0x7800] =	vst v4;
	s1 =	sor.u32 s25, s26;
	v0 =	vld [tilespmem:s22+$0x0];
	v4 =	vmul.f32 $1.000000000e+01, v5  }
0x19e: {  	v5 =	vld [tilespmem:s1+$0x0];
	v7 =	vmul.f32 $1.000000000e+01, v7;
	[tilespmem:s18+$0x7800] =	vst v1  }
0x19f: {  	v1 =	vld [tilespmem:s1+$0x80];
	v3 =	vmul.f32 $1.000000000e+01, v3;
	[tilespmem:s19+$0x7800] =	vst v4  }
0x1a0: {  	v4 =	vld [tilespmem:s1+$0x100];
	v6 =	vmul.f32 $1.000000000e+01, v6;
	[tilespmem:s5+$0x7800] =	vst v7;
	s5 =	sor.u32 $0x300, s3  }
0x1a1: {  	[tilespmem:s7+$0x7800] =	vst v3;
	v7 =	vld [tilespmem:s5+$0x0];
	v2 =	vmul.f32 $1.000000000e+01, v2  }
0x1a2: {  	v3 =	vld [tilespmem:s1+$0x10];
	[tilespmem:s20+$0x7800] =	vst v6;
	v0 =	vmul.f32 $1.000000000e+01, v0  }
0x1a3: {  	v6 =	vld [tilespmem:s1+$0x90];
	v5 =	vmul.f32 $1.000000000e+01, v5;
	[tilespmem:s21+$0x7800] =	vst v2  }
0x1a4: {  	v1 =	vmul.f32 $1.000000000e+01, v1;
	v2 =	vld [tilespmem:s1+$0x110];
	[tilespmem:s22+$0x7800] =	vst v0  }
0x1a5: {  	[tilespmem:s1+$0x7800] =	vst v5;
	v0 =	vmul.f32 $1.000000000e+01, v4;
	v4 =	vld [tilespmem:s1+$0x190]  }
0x1a6: {  	s7 =	sor.u32 s26, s24;
	[tilespmem:s1+$0x7880] =	vst v1;
	v1 =	vld [tilespmem:s1+$0x20];
	v5 =	vmul.f32 $1.000000000e+01, v7  }
0x1a7: {  	s9 =	sor.u32 s6, s8;
	s3 =	sor.u32 $0x180, s7;
	[tilespmem:s1+$0x7900] =	vst v0;
	v0 =	vmul.f32 $1.000000000e+01, v3;
	v3 =	vld [tilespmem:s1+$0xA0]  }
0x1a8: {  	s10 =	sor.u32 $0x380, s9;
	v6 =	vmul.f32 $1.000000000e+01, v6;
	v7 =	vld [tilespmem:s3+$0x0];
	[tilespmem:s5+$0x7800] =	vst v5  }
0x1a9: {  	[tilespmem:s1+$0x7810] =	vst v0;
	v0 =	vmul.f32 $1.000000000e+01, v2;
	v2 =	vld [tilespmem:s10+$0x0]  }
0x1aa: {  	[tilespmem:s1+$0x7890] =	vst v6;
	v5 =	vld [tilespmem:s1+$0x120];
	v4 =	vmul.f32 $1.000000000e+01, v4  }
0x1ab: {  	[tilespmem:s1+$0x7910] =	vst v0;
	v0 =	vmul.f32 $1.000000000e+01, v1;
	v1 =	vld [tilespmem:s1+$0x1A0]  }
0x1ac: {  	p0 =	por !p0, !p0;
	s5 =	simm.s32 $0x1;
	[tilespmem:s1+$0x7990] =	vst v4;
	v3 =	vmul.f32 $1.000000000e+01, v3;
	v4 =	vld [tilespmem:s1+$0x30]  }
0x1ad: {  	s5 =	simm.s32 @!p0 $0x0;
	v6 =	vmul.f32 $1.000000000e+01, v7;
	[tilespmem:s1+$0x7820] =	vst v0;
	v0 =	vld [tilespmem:s1+$0xB0]  }
0x1ae: {  	s5 =	sshll.u32 s5, $0x6;
	[tilespmem:s1+$0x78A0] =	vst v3;
	v3 =	vld [tilespmem:s1+$0x130];
	v2 =	vmul.f32 $1.000000000e+01, v2  }
0x1af: {  	s11 =	sor.u32 $0x280, s17;
	s14 =	sadd.s32 $0x400, s5;
	v5 =	vmul.f32 $1.000000000e+01, v5;
	[tilespmem:s3+$0x7800] =	vst v6;
	v6 =	vld [tilespmem:s1+$0x1B0]  }
0x1b0: {  	s5 =	sor.u32 $0x200, s14;
	s15 =	sadd.s32 $0x10, s14;
	v1 =	vmul.f32 $1.000000000e+01, v1;
	[tilespmem:s10+$0x7800] =	vst v2;
	v2 =	vld [tilespmem:s11+$0x0]  }
0x1b1: {  	s16 =	sor.u32 $0x200, s15;
	v7 =	vld [tilespmem:s5+$0x0];
	[tilespmem:s1+$0x7920] =	vst v5;
	s10 =	sadd.s32 $0x20, s14;
	v4 =	vmul.f32 $1.000000000e+01, v4  }
0x1b2: {  	v5 =	vld [tilespmem:s16+$0x0];
	s19 =	sor.u32 $0x200, s10;
	[tilespmem:s1+$0x79A0] =	vst v1;
	v0 =	vmul.f32 $1.000000000e+01, v0  }
0x1b3: {  	s18 =	sor.u32 $0x300, s12;
	v8 =	vld [tilespmem:s19+$0x0];
	[tilespmem:s1+$0x7830] =	vst v4;
	v1 =	vmul.f32 $1.000000000e+01, v3  }
0x1b4: {  	s30 =	sor.u32 $0x300, s13;
	v4 =	vld [tilespmem:s18+$0x0];
	[tilespmem:s1+$0x78B0] =	vst v0;
	v0 =	vmul.f32 $1.000000000e+01, v6  }
0x1b5: {  	s25 =	sor.u32 $0x380, s0;
	s22 =	sadd.s32 $0x30, s14;
	v6 =	vld [tilespmem:s30+$0x0];
	[tilespmem:s1+$0x7930] =	vst v1;
	v2 =	vmul.f32 $1.000000000e+01, v2  }
0x1b6: {  	s31 =	simm.s32 $0x8;
	s28 =	sor.u32 $0x380, s12;
	s20 =	sor.u32 $0x200, s22;
	v3 =	vmul.f32 $1.000000000e+01, v7;
	v7 =	vld [tilespmem:s25+$0x0];
	[tilespmem:s1+$0x79B0] =	vst v0  }
0x1b7: {  	s29 =	sor.u32 $0x380, s17;
	s2 =	sor.u32 $0x300, s17;
	s12 =	simm.s32 $0x600;
	v5 =	vmul.f32 $1.000000000e+01, v5;
	v1 =	vld [tilespmem:s20+$0x0];
	[tilespmem:s11+$0x7800] =	vst v2  }
0x1b8: {  	s26 =	sor.u32 $0x380, s13;
	s13 =	simm.s32 $0xC0;
	s7 =	sor.u32 $0x280, s14;
	[tilespmem:s5+$0x7800] =	vst v3;
	v2 =	vmul.f32 $1.000000000e+01, v8;
	v0 =	vld [tilespmem:s2+$0x0]  }
0x1b9: {  	s0 =	sor.u32 $0x300, s15;
	s8 =	sor.u32 $0x280, s22;
	s3 =	sor.u32 $0x280, s15;
	[tilespmem:s16+$0x7800] =	vst v5;
	v3 =	vld [tilespmem:s7+$0x0];
	v8 =	vmul.f32 $1.000000000e+01, v4  }
0x1ba: {  	s15 =	sor.u32 $0x380, s15;
	s21 =	sor.u32 $0x300, s10;
	s1 =	sor.u32 $0x280, s10;
	v5 =	vld [tilespmem:s3+$0x0];
	v6 =	vmul.f32 $1.000000000e+01, v6;
	[tilespmem:s19+$0x7800] =	vst v2  }
0x1bb: {  	s6 =	sor.u32 $0x380, s10;
	s11 =	sor.u32 $0x300, s22;
	s19 =	sor.u32 $0x380, s22;
	[tilespmem:s18+$0x7800] =	vst v8;
	v2 =	vmul.f32 $1.000000000e+01, v7;
	v4 =	vld [tilespmem:s1+$0x0]  }
.LBB2_9:
0x1bc: {  	s5 =	sand.u32 $0x40, s13;
	s9 =	sand.u32 $0xC00, s12;
	v1 =	vmul.f32 $1.000000000e+01, v1;
	v7 =	vld [tilespmem:s28+$0x0];
	[tilespmem:s30+$0x7800] =	vst v6;
	s30 =	smov.u32 s21  }
0x1bd: {  	s17 =	sor.u32 s5, s9;
	v6 =	vld [tilespmem:s26+$0x0];
	v0 =	vmul.f32 $1.000000000e+01, v0;
	[tilespmem:s25+$0x7800] =	vst v2;
	s25 =	smov.u32 s29;
	s29 =	smov.u32 s19  }
0x1be: {  	v2 =	vld [tilespmem:s17+$0x0];
	v3 =	vmul.f32 $1.000000000e+01, v3;
	[tilespmem:s20+$0x7800] =	vst v1  }
0x1bf: {  	s31 =	sadd.s32 $0x4, s31;
	v1 =	vld [tilespmem:s17+$0x80];
	v5 =	vmul.f32 $1.000000000e+01, v5;
	[tilespmem:s2+$0x7800] =	vst v0;
	s2 =	smov.u32 s11  }
0x1c0: {  	p1 =	slt.u32 s31, $0x14;
	s5 =	sor.u32 $0x300, s14;
	v0 =	vld [tilespmem:s17+$0x100];
	[tilespmem:s7+$0x7800] =	vst v3;
	v3 =	vmul.f32 $1.000000000e+01, v4  }
0x1c1: {  	v4 =	vld [tilespmem:s5+$0x0];
	[tilespmem:s3+$0x7800] =	vst v5;
	v5 =	vmul.f32 $1.000000000e+01, v7  }
0x1c2: {  	v7 =	vld [tilespmem:s17+$0x10];
	[tilespmem:s1+$0x7800] =	vst v3;
	v3 =	vmul.f32 $1.000000000e+01, v6  }
0x1c3: {  	v2 =	vmul.f32 $1.000000000e+01, v2;
	v6 =	vld [tilespmem:s17+$0x90];
	[tilespmem:s28+$0x7800] =	vst v5;
	s28 =	smov.u32 s15  }
0x1c4: {  	v1 =	vmul.f32 $1.000000000e+01, v1;
	v5 =	vld [tilespmem:s17+$0x110];
	[tilespmem:s26+$0x7800] =	vst v3;
	s26 =	smov.u32 s6  }
0x1c5: {  	[tilespmem:s17+$0x7800] =	vst v2;
	v0 =	vmul.f32 $1.000000000e+01, v0;
	v2 =	vld [tilespmem:s17+$0x190]  }
0x1c6: {  	s1 =	sor.u32 s9, s13;
	[tilespmem:s17+$0x7880] =	vst v1;
	v1 =	vld [tilespmem:s17+$0x20];
	v3 =	vmul.f32 $1.000000000e+01, v4  }
0x1c7: {  	s3 =	sor.u32 s23, s24;
	s23 =	smov.u32 s12;
	s1 =	sor.u32 $0x180, s1;
	[tilespmem:s17+$0x7900] =	vst v0;
	v0 =	vmul.f32 $1.000000000e+01, v7;
	v4 =	vld [tilespmem:s17+$0xA0]  }
0x1c8: {  	s24 =	smov.u32 s13;
	s3 =	sor.u32 $0x380, s3;
	v7 =	vld [tilespmem:s1+$0x0];
	v6 =	vmul.f32 $1.000000000e+01, v6;
	[tilespmem:s5+$0x7800] =	vst v3  }
0x1c9: {  	[tilespmem:s17+$0x7810] =	vst v0;
	v0 =	vmul.f32 $1.000000000e+01, v5;
	v3 =	vld [tilespmem:s3+$0x0]  }
0x1ca: {  	[tilespmem:s17+$0x7890] =	vst v6;
	v2 =	vmul.f32 $1.000000000e+01, v2;
	v5 =	vld [tilespmem:s17+$0x120]  }
0x1cb: {  	[tilespmem:s17+$0x7910] =	vst v0;
	v0 =	vmul.f32 $1.000000000e+01, v1;
	v1 =	vld [tilespmem:s17+$0x1A0]  }
0x1cc: {  	p0 =	por !p0, !p0;
	s5 =	simm.s32 $0x1;
	[tilespmem:s17+$0x7990] =	vst v2;
	v2 =	vmul.f32 $1.000000000e+01, v4;
	v4 =	vld [tilespmem:s17+$0x30]  }
0x1cd: {  	s5 =	simm.s32 @!p0 $0x0;
	v6 =	vmul.f32 $1.000000000e+01, v7;
	[tilespmem:s17+$0x7820] =	vst v0;
	v0 =	vld [tilespmem:s17+$0xB0]  }
0x1ce: {  	s5 =	sshll.u32 s5, $0x6;
	[tilespmem:s17+$0x78A0] =	vst v2;
	v2 =	vld [tilespmem:s17+$0x130];
	v3 =	vmul.f32 $1.000000000e+01, v3  }
0x1cf: {  	s14 =	sadd.s32 s5, s12;
	[tilespmem:s1+$0x7800] =	vst v6;
	v5 =	vmul.f32 $1.000000000e+01, v5;
	v6 =	vld [tilespmem:s17+$0x1B0]  }
0x1d0: {  	s5 =	sor.u32 $0x200, s14;
	s6 =	sadd.s32 $0x10, s14;
	s7 =	sadd.s32 $0x20, s14;
	v1 =	vmul.f32 $1.000000000e+01, v1;
	[tilespmem:s3+$0x7800] =	vst v3;
	v3 =	vld [tilespmem:s8+$0x0]  }
0x1d1: {  	s16 =	sadd.s32 $0x30, s14;
	s9 =	sor.u32 $0x200, s6;
	s10 =	sor.u32 $0x200, s7;
	v7 =	vld [tilespmem:s5+$0x0];
	[tilespmem:s17+$0x7920] =	vst v5;
	v4 =	vmul.f32 $1.000000000e+01, v4  }
0x1d2: {  	s20 =	sor.u32 $0x200, s16;
	s1 =	sor.u32 $0x280, s7;
	s3 =	sor.u32 $0x280, s6;
	v5 =	vld [tilespmem:s9+$0x0];
	[tilespmem:s17+$0x79A0] =	vst v1;
	v0 =	vmul.f32 $1.000000000e+01, v0  }
0x1d3: {  	s18 =	sor.u32 $0x300, s6;
	s21 =	sor.u32 $0x300, s7;
	s22 =	sor.u32 $0x280, s16;
	v8 =	vld [tilespmem:s10+$0x0];
	[tilespmem:s17+$0x7830] =	vst v4;
	v1 =	vmul.f32 $1.000000000e+01, v2  }
0x1d4: {  	s15 =	sor.u32 $0x380, s6;
	s11 =	sor.u32 $0x300, s16;
	s6 =	sor.u32 $0x380, s7;
	[tilespmem:s17+$0x78B0] =	vst v0;
	v0 =	vmul.f32 $1.000000000e+01, v6;
	v2 =	vld [tilespmem:s0+$0x0]  }
0x1d5: {  	s19 =	sor.u32 $0x380, s16;
	[tilespmem:s17+$0x7930] =	vst v1;
	v4 =	vld [tilespmem:s30+$0x0];
	v3 =	vmul.f32 $1.000000000e+01, v3  }
0x1d6: {  	v6 =	vmul.f32 $1.000000000e+01, v7;
	[tilespmem:s17+$0x79B0] =	vst v0;
	v7 =	vld [tilespmem:s25+$0x0]  }
.Ltmp4:
0x1d7: {  	v5 =	vmul.f32 $1.000000000e+01, v5;
	v1 =	vld [tilespmem:s20+$0x0];
	[tilespmem:s8+$0x7800] =	vst v3;
	s8 =	smov.u32 s22;
	(pc) =	sbr.rel @p1 .LBB2_9-.Ltmp4, $4  }
0x1d8: {  	s7 =	sor.u32 $0x280, s14;
	[tilespmem:s5+$0x7800] =	vst v6;
	v6 =	vmul.f32 $1.000000000e+01, v8;
	v0 =	vld [tilespmem:s2+$0x0]  }
0x1d9: {  	v3 =	vld [tilespmem:s7+$0x0];
	[tilespmem:s9+$0x7800] =	vst v5;
	v2 =	vmul.f32 $1.000000000e+01, v2  }
0x1da: {  	v5 =	vld [tilespmem:s3+$0x0];
	[tilespmem:s10+$0x7800] =	vst v6;
	v6 =	vmul.f32 $1.000000000e+01, v4  }
0x1db: {  	s13 =	sadd.s32 $0x40, s13;
	s12 =	sadd.s32 $0x200, s12;
	v4 =	vld [tilespmem:s1+$0x0];
	[tilespmem:s0+$0x7800] =	vst v2;
	v2 =	vmul.f32 $1.000000000e+01, v7;
	s0 =	smov.u32 s18  }
0x1dc: {  	v1 =	vmul.f32 $1.000000000e+01, v1;
	_ =	sdelay $0x1  }
0x1dd: {  	[tilespmem:s20+$0x7800] =	vst v1  }
0x1de: {  	v1 =	vld [tilespmem:s8+$0x0];
	_ =	sdelay $0x1  }
0x1df: {  	v3 =	vmul.f32 $1.000000000e+01, v3  }
0x1e0: {  	v5 =	vmul.f32 $1.000000000e+01, v5  }
0x1e1: {  	s5 =	sor.u32 $0x300, s14;
	[tilespmem:s7+$0x7800] =	vst v3;
	v49 =	vmul.f32 $1.000000000e+01, v4  }
0x1e2: {  	v50 =	vld [tilespmem:s5+$0x0];
	[tilespmem:s3+$0x7800] =	vst v5;
	v1 =	vmul.f32 $1.000000000e+01, v1  }
0x1e3: {  	[tilespmem:s1+$0x7800] =	vst v49;
	v51 =	vld [tilespmem:s0+$0x0]  }
0x1e4: {  	v52 =	vld [tilespmem:s21+$0x0];
	[tilespmem:s8+$0x7800] =	vst v1  }
0x1e5: {  	v1 =	vld [tilespmem:s11+$0x0]  }
0x1e6: {  	v0 =	vmul.f32 $1.000000000e+01, v0  }
0x1e7: {  	v7 =	vld [tilespmem:s28+$0x0];
	[tilespmem:s30+$0x7800] =	vst v6;
	v4 =	vmul.f32 $1.000000000e+01, v50  }
0x1e8: {  	s24 =	sor.u32 s23, s24;
	v6 =	vld [tilespmem:s26+$0x0];
	[tilespmem:s2+$0x7800] =	vst v0;
	v3 =	vmul.f32 $1.000000000e+01, v51  }
0x1e9: {  	v55 =	vld [tilespmem:s29+$0x0];
	s1 =	sor.u32 $0x380, s24;
	[tilespmem:s5+$0x7800] =	vst v4;
	v54 =	vmul.f32 $1.000000000e+01, v52  }
0x1ea: {  	v53 =	vld [tilespmem:s1+$0x0];
	[tilespmem:s0+$0x7800] =	vst v3;
	v1 =	vmul.f32 $1.000000000e+01, v1  }
0x1eb: {  	v3 =	vld [tilespmem:s15+$0x0];
	[tilespmem:s21+$0x7800] =	vst v54  }
0x1ec: {  	v56 =	vmul.f32 $1.000000000e+01, v7;
	v57 =	vld [tilespmem:s6+$0x0];
	[tilespmem:s11+$0x7800] =	vst v1  }
0x1ed: {  	[tilespmem:s25+$0x7800] =	vst v2;
	v58 =	vmul.f32 $1.000000000e+01, v6;
	v59 =	vld [tilespmem:s19+$0x0]  }
0x1ee: {  	[tilespmem:s28+$0x7800] =	vst v56;
	v60 =	vmul.f32 $1.000000000e+01, v55  }
0x1ef: {  	[tilespmem:s26+$0x7800] =	vst v58;
	v0 =	vmul.f32 $1.000000000e+01, v53  }
0x1f0: {  	[tilespmem:s29+$0x7800] =	vst v60;
	v61 =	vmul.f32 $1.000000000e+01, v3  }
0x1f1: {  	[tilespmem:s1+$0x7800] =	vst v0;
	v62 =	vmul.f32 $1.000000000e+01, v57  }
0x1f2: {  	[tilespmem:s15+$0x7800] =	vst v61;
	v63 =	vmul.f32 $1.000000000e+01, v59  }
0x1f3: {  	[tilespmem:s6+$0x7800] =	vst v62  }
0x1f4: {  	s16 =	simm.s32 $0x0;
	[tilespmem:s19+$0x7800] =	vst v63  }
0x1f5: {  	s28 =	simm.s32 $0x7800;
	s29 =	simm.s32 $0x3;
	s0 =	rddreg [dreg:$0xa]  }
0x1f6: {  	[hbm4b:s0+s16] =	stream.linear.scatter [tilespmem:s28], [sflag:$0x3], $0xC00, $0x38;
	[tilespmem:$0xF000] =	vst v63  }
0x1f7: {  	_ =	swait.ge [sflag:s29], $0xC00  }
0x1f8: {  	s30 =	rddreg [dreg:$0xc]  }
0x1f9: {  	s31 =	rddreg [dreg:$0xb];
	s2 =	sadd.s32 $0x1, s30  }
0x1fa: {  	p0 =	sne.s32 s2, s31  }
.Ltmp5:
0x1fb: {  	_ = 	snop;
	(pc) =	sbr.rel @p0 .LBB2_1-.Ltmp5, $3  }
0x1fc: {  	_ =	sdelay $0x1  }
0x1fd: {  	[sflag:s29] =	ssyncset.done $0x0  }
0x1fe: {  	[sflag:s29] =	ssyncadd.s32 $0xFFFFF400  }
0x1ff: {  	_ =	sfence.sel $0x180000  }
0x200: {  	[bflag:$0x0] =	sbarrier.arrive $0xFFFF  }
0x201: {  	_ =	strace $0x90000047  }
0x202: {  	s0 =	stileid.u32;
	[bflag:$0x2] =	sbarrier.arrive $0xFFFF  }
0x203: {  	p0 =	sne.s32 s0, $0x0;
	s0 =	rddreg [dreg:$0x2]  }
0x204: {  	s0 =	sadd.s32 @!p0 $0x100000, s0  }
0x205: {  	[sflag:s0] =	ssyncadd.tile.s32 @!p0 $0x1;
	_ =	shalt  }
.Lfunc_end2:
_tile_overlayer_lowered:
.L_overlay_start_2:
0x206: {  	(tag) =	ssettag $0x2  }
0x207: {  	s0 =	rddreg [dreg:$0x0];
	s2 =	stileid.u32  }
0x208: {  	s1 =	rddreg [dreg:$0x1];
	p0 =	sne.s32 s2, $0x0  }
0x209: {  	s3 =	rddreg [dreg:$0x2];
	[bflag:$0x3] =	sbarrier.arrive $0xFFFF;
	s2 =	simm.s32 @!p0 $0x1C05  }
0x20a: {  	[timem:s3], [sflag:s2] =	dma.local @!p0 [hbm:s0], s1  }
0x20b: {  	s0 =	simm.s32 @!p0 $0x5  }
0x20c: {  	_ =	swait.ge @!p0 [sflag:s0], s1  }
0x20d: {  	s1 =	ssub.s32 @!p0 $0x0, s1;
	[sflag:s0] =	ssyncset.done @!p0 $0x0  }
0x20e: {  	[sflag:s0] =	ssyncadd.s32 @!p0 s1  }
0x20f: {  	[bflag:$0x3] =	sbarrier.arrive $0xFFFF  }
0x210: {  	_ =	shalt  }

</sc_bundles>
